<compile_context>
chip_gen: v7x
topology: tpu7x:2x2x1
jax: 0.10.2.dev20260603
libtpu: 0.0.44.dev20260713+nightly
codegen_flags: <defaults>
</compile_context>

<pallas_src>
import functools

import jax
import jax.numpy as jnp
from jax import lax
from jax.experimental import pallas as pl
from jax.experimental.pallas import tpu as pltpu
from jax.experimental.pallas import tpu_sc as plsc

N_E = 8192
E_DIM = 256
BETA = 0.25

BM = 1024
BKB = 2048
SUB = 1024
NKB = N_E // BKB


def _dist_argmin_body(z_ref, cb_ref, idx_ref, loss_ref,
                      z2_ref, c2_ref, iota_ref):
    m = pl.program_id(0)
    nm = pl.num_programs(0)

    @pl.when(m == 0)
    def _():
        iota_ref[...] = lax.broadcasted_iota(
            jnp.int32, (BM, 128), 1).astype(jnp.float32)
        cb = cb_ref[...]
        c2 = jnp.sum(cb * cb, axis=1)[None, :]
        c2_ref[...] = jnp.broadcast_to(c2, (8, N_E))

    zfs = z_ref[0].T * -2.0
    z2 = 0.25 * jnp.sum(zfs * zfs, axis=1, keepdims=True)
    z2_ref[...] = jnp.broadcast_to(z2, (BM, 128))

    z2b = z2_ref[...]
    rmin = jnp.full((BM, 128), jnp.inf, jnp.float32)
    ridx = jnp.zeros((BM, 128), jnp.float32)
    for s in range(N_E // SUB):
        mm = lax.dot_general(
            zfs, cb_ref[s * SUB:(s + 1) * SUB, :],
            (((1,), (1,)), ((), ())),
            preferred_element_type=jnp.float32)
        for i in range(SUB // 128):
            ci = s * (SUB // 128) + i
            c2c = jnp.broadcast_to(
                c2_ref[:, ci * 128:(ci + 1) * 128]
                .reshape(1, 8, 128), (BM // 8, 8, 128))
            t1 = z2b + c2c.reshape(BM, 128)
            col = t1 + mm[:, i * 128:(i + 1) * 128]
            cm = col < rmin
            rmin = jnp.where(cm, col, rmin)
            ridx = jnp.where(cm, float(ci), ridx)

    lmin = jnp.min(rmin, axis=1, keepdims=True)
    jidx = ridx * 128.0 + iota_ref[...]
    cand = jnp.where(rmin == lmin, jidx, float(N_E))
    lidx = jnp.min(cand, axis=1, keepdims=True)
    idx_ref[...] = lidx.astype(jnp.int32)
    acc = jnp.sum(lmin)

    @pl.when(m == 0)
    def _():
        loss_ref[0, 0] = acc

    @pl.when(m > 0)
    def _():
        loss_ref[0, 0] = loss_ref[0, 0] + acc

    @pl.when(m == nm - 1)
    def _():
        scale = (1.0 + BETA) / float(N_E * E_DIM)
        loss_ref[0, 0] = loss_ref[0, 0] * scale


def _dist_argmin(z3, codebook):
    n_tok = z3.shape[0] * z3.shape[2]
    grid = (n_tok // BM,)
    return pl.pallas_call(
        _dist_argmin_body,
        grid=grid,
        in_specs=[
            pl.BlockSpec((1, E_DIM, BM), lambda m: (m, 0, 0)),
            pl.BlockSpec((N_E, E_DIM), lambda m: (0, 0)),
        ],
        out_specs=[
            pl.BlockSpec((BM, 1), lambda m: (m, 0)),
            pl.BlockSpec(memory_space=pltpu.SMEM),
        ],
        out_shape=[
            jax.ShapeDtypeStruct((n_tok, 1), jnp.int32),
            jax.ShapeDtypeStruct((1, 1), jnp.float32),
        ],
        scratch_shapes=[
            pltpu.VMEM((BM, 128), jnp.float32),
            pltpu.VMEM((8, N_E), jnp.float32),
            pltpu.VMEM((BM, 128), jnp.float32),
        ],
        compiler_params=pltpu.CompilerParams(
            dimension_semantics=("arbitrary",),
        ),
    )(z3, codebook)


_NC = 2
_NS = 16
_NW = _NC * _NS
_TOK = 8192
_BPW = _TOK // _NW
_GCH = 128


def _gather_body(cb_hbm, idx_hbm, out_hbm, idx_v, rows_v, sem):
    wid = lax.axis_index("s") * _NC + lax.axis_index("c")
    base = wid * _BPW
    for j in range(_BPW // _GCH):
        pltpu.sync_copy(idx_hbm.at[pl.ds(base + j * _GCH, _GCH)], idx_v.at[j])
        pltpu.async_copy(cb_hbm.at[idx_v.at[j]],
                         rows_v.at[pl.ds(j * _GCH, _GCH)], sem).wait()
    pltpu.sync_copy(rows_v, out_hbm.at[pl.ds(base, _BPW)])


@functools.cache
def _sc_gather_fn():
    return pl.kernel(
        _gather_body,
        out_type=jax.ShapeDtypeStruct((_TOK, E_DIM), jnp.float32),
        mesh=plsc.VectorSubcoreMesh(core_axis_name="c", subcore_axis_name="s"),
        scratch_types=[
            pltpu.VMEM((_BPW // _GCH, _GCH), jnp.int32),
            pltpu.VMEM((_BPW, E_DIM), jnp.float32),
            pltpu.SemaphoreType.DMA,
        ],
    )


def _st_body(z_ref, zq_ref, out_ref):
    z = z_ref[0]
    zqt = zq_ref[...].T
    out_ref[0] = z + (zqt - z)


def _st_transpose(z3, zq):
    b, c, hw = z3.shape
    return pl.pallas_call(
        _st_body,
        grid=(b,),
        in_specs=[
            pl.BlockSpec((1, c, hw), lambda i: (i, 0, 0)),
            pl.BlockSpec((hw, c), lambda i: (i, 0)),
        ],
        out_specs=pl.BlockSpec((1, c, hw), lambda i: (i, 0, 0)),
        out_shape=jax.ShapeDtypeStruct((b, c, hw), jnp.float32),
    )(z3, zq)


def kernel(z, codebook):
    b, c, h, w = z.shape
    z3 = z.reshape(b, c, h * w)
    idx2, loss = _dist_argmin(z3, codebook)
    idx = idx2.reshape(-1)
    zq = _sc_gather_fn()(codebook, idx)
    out3 = _st_transpose(z3, zq)
    z_q_out = out3.reshape(b, c, h, w)
    return (z_q_out, loss[0, 0], idx)

# --- scband reference (transcript-rebuilt; emitter-appended) ---
"""Pipeline reference for scband-vector-quantizer2-3539053052640 (READ-ONLY COPY).

The authoritative reference and input builder live on the scoring server;
editing this copy changes nothing except your own understanding.
"""

import jax, jax.numpy as jnp
import numpy as np

N_E = 8192
E_DIM = 256
BETA = 0.25

def setup_inputs(seed: int = 0) -> dict:
    key = jax.random.key(seed)
    k1, k2 = jax.random.split(key)
    z = jax.random.normal(k1, (8, E_DIM, 32, 32), dtype=jnp.float32)
    codebook = jax.random.uniform(k2, (N_E, E_DIM), minval=-1.0 / N_E, maxval=1.0 / N_E, dtype=jnp.float32)
    return {"z": z, "codebook": codebook}

def reference(z, codebook):
    # z: (B, C, H, W) -> (B, H, W, C)
    zp = jnp.transpose(z, (0, 2, 3, 1))
    zf = zp.reshape(-1, E_DIM)
    # squared L2 distances to all codebook entries
    d = (jnp.sum(zf ** 2, axis=1, keepdims=True)
         + jnp.sum(codebook ** 2, axis=1)
         - 2.0 * jnp.matmul(zf, codebook.T))
    min_encoding_indices = jnp.argmin(d, axis=1)
    z_q = jnp.take(codebook, min_encoding_indices, axis=0).reshape(zp.shape)
    loss = (jnp.mean((jax.lax.stop_gradient(z_q) - zp) ** 2)
            + BETA * jnp.mean((z_q - jax.lax.stop_gradient(zp)) ** 2))
    # straight-through estimator
    z_q_st = zp + jax.lax.stop_gradient(z_q - zp)
    z_q_out = jnp.transpose(z_q_st, (0, 3, 1, 2))
    return (z_q_out, loss, min_encoding_indices)

if __name__ == "__main__":
    import jax
    _d = setup_inputs()
    print(jax.jit(kernel)(*tuple(_d.values())))

</pallas_src>

<mosaic_0001>
#map = affine_map<(d0, d1) -> (0, 0)>
#map1 = affine_map<(d0, d1) -> (0)>
module attributes {stable_mosaic.version = 14 : i64} {
  func.func @_gather_body(%arg0: i32, %arg1: i32, %arg2: memref<8192x256xf32, #tpu.memory_space<hbm>>, %arg3: memref<8192xi32, #tpu.memory_space<hbm>>, %arg4: memref<8192x256xf32, #tpu.memory_space<hbm>>, %arg5: memref<2x128xi32, #tpu.memory_space<vmem>>, %arg6: memref<256x256xf32, #tpu.memory_space<vmem>>, %arg7: memref<!tpu.dma_semaphore, #tpu.memory_space<semaphore_mem>>) attributes {dimension_semantics = [#tpu.dimension_semantics<core_parallel>, #tpu.dimension_semantics<subcore_parallel>], iteration_bounds = array<i64: 2, 16>, scalar_prefetch = 0 : i64, scratch_operands = 3 : i64, tpu.core_type = #tpu.core_type<sc_vector_subcore>, window_params = [{transform_indices = #map}, {transform_indices = #map1}, {transform_indices = #map}]} {
    %mul3A = arith.constant 2 : i32
    %mul3A_0 = arith.muli %arg1, %mul3A : i32
    %add3A = arith.addi %mul3A_0, %arg0 : i32
    %mul3A_1 = arith.constant 256 : i32
    %mul3A_2 = arith.muli %add3A, %mul3A_1 : i32
    %add3A_3 = arith.constant 0 : i32
    %add3A_4 = arith.addi %mul3A_2, %add3A_3 : i32
    %run_scoped3A = arith.constant 0 : i32
    "tpu.region"() ({
      %run_scoped3A_46 = tpu.sem_alloc : memref<!tpu.dma_semaphore, #tpu.memory_space<semaphore_mem>>
      %dma_start3A_47 = arith.constant 0 : i32
      %dma_start3A_48 = tpu.memref_slice %arg5[%run_scoped3A, %dma_start3A_47] : memref<2x128xi32, #tpu.memory_space<vmem>> -> memref<1x128xi32, #tpu.memory_space<vmem>>
      %dma_start3A_49 = tpu.memref_squeeze %dma_start3A_48 : memref<1x128xi32, #tpu.memory_space<vmem>> -> memref<128xi32, #tpu.memory_space<vmem>>
      %dma_start3A_50 = tpu.memref_slice %arg3[%add3A_4] : memref<8192xi32, #tpu.memory_space<hbm>> -> memref<128xi32, #tpu.memory_space<hbm>>
      %dma_start3A_51 = arith.constant 0 : i32
      %dma_start3A_52 = tpu.memref_slice %arg5[%run_scoped3A, %dma_start3A_51] : memref<2x128xi32, #tpu.memory_space<vmem>> -> memref<1x128xi32, #tpu.memory_space<vmem>>
      %dma_start3A_53 = tpu.memref_squeeze %dma_start3A_52 : memref<1x128xi32, #tpu.memory_space<vmem>> -> memref<128xi32, #tpu.memory_space<vmem>>
      %dma_start3A_54 = tpu.memref_slice %arg3[%add3A_4] : memref<8192xi32, #tpu.memory_space<hbm>> -> memref<128xi32, #tpu.memory_space<hbm>>
      tpu.enqueue_dma source(%dma_start3A_54 : memref<128xi32, #tpu.memory_space<hbm>>) target(%dma_start3A_53 : memref<128xi32, #tpu.memory_space<vmem>>) target_semaphore(%run_scoped3A_46 : memref<!tpu.dma_semaphore, #tpu.memory_space<semaphore_mem>>)
      %dma_wait3A_55 = arith.constant 0 : i32
      %dma_wait3A_56 = tpu.memref_slice %arg5[%run_scoped3A, %dma_wait3A_55] : memref<2x128xi32, #tpu.memory_space<vmem>> -> memref<1x128xi32, #tpu.memory_space<vmem>>
      %dma_wait3A_57 = tpu.memref_squeeze %dma_wait3A_56 : memref<1x128xi32, #tpu.memory_space<vmem>> -> memref<128xi32, #tpu.memory_space<vmem>>
      %dma_wait3A_58 = tpu.memref_slice %arg3[%add3A_4] : memref<8192xi32, #tpu.memory_space<hbm>> -> memref<128xi32, #tpu.memory_space<hbm>>
      %dma_wait3A_59 = arith.constant 0 : i32
      %dma_wait3A_60 = tpu.memref_slice %arg5[%run_scoped3A, %dma_wait3A_59] : memref<2x128xi32, #tpu.memory_space<vmem>> -> memref<1x128xi32, #tpu.memory_space<vmem>>
      %dma_wait3A_61 = tpu.memref_squeeze %dma_wait3A_60 : memref<1x128xi32, #tpu.memory_space<vmem>> -> memref<128xi32, #tpu.memory_space<vmem>>
      %dma_wait3A_62 = tpu.memref_slice %arg3[%add3A_4] : memref<8192xi32, #tpu.memory_space<hbm>> -> memref<128xi32, #tpu.memory_space<hbm>>
      tpu.wait_dma2 semaphore(%run_scoped3A_46 : memref<!tpu.dma_semaphore, #tpu.memory_space<semaphore_mem>>) src(%dma_wait3A_62 : memref<128xi32, #tpu.memory_space<hbm>>) dst(%dma_wait3A_61 : memref<128xi32, #tpu.memory_space<vmem>>)
      tpu.yield
    }) : () -> ()
    %dma_start3A = arith.constant 0 : i32
    %dma_start3A_5 = arith.constant 0 : i32
    %dma_start3A_6 = arith.constant 0 : i32
    %dma_start3A_7 = tpu.memref_slice %arg6[%dma_start3A_5, %dma_start3A_6] : memref<256x256xf32, #tpu.memory_space<vmem>> -> memref<128x256xf32, #tpu.memory_space<vmem>>
    %dma_start3A_8 = arith.constant 0 : i32
    %dma_start3A_9 = tpu.memref_slice %arg5[%dma_start3A, %dma_start3A_8] : memref<2x128xi32, #tpu.memory_space<vmem>> -> memref<1x128xi32, #tpu.memory_space<vmem>>
    %dma_start3A_10 = tpu.memref_squeeze %dma_start3A_9 : memref<1x128xi32, #tpu.memory_space<vmem>> -> memref<128xi32, #tpu.memory_space<vmem>>
    %dma_start3A_11 = arith.constant 0 : i32
    %dma_start3A_12 = arith.constant 0 : i32
    %dma_start3A_13 = tpu.memref_slice %arg2[%dma_start3A_11, %dma_start3A_12] : memref<8192x256xf32, #tpu.memory_space<hbm>> -> memref<8192x256xf32, #tpu.memory_space<hbm>>
    tpu.enqueue_indirect_dma source(%dma_start3A_13 : memref<8192x256xf32, #tpu.memory_space<hbm>>) target(%dma_start3A_7 : memref<128x256xf32, #tpu.memory_space<vmem>>) offsets(%dma_start3A_10 : memref<128xi32, #tpu.memory_space<vmem>>) semaphore(%arg7 : memref<!tpu.dma_semaphore, #tpu.memory_space<semaphore_mem>>)
    %dma_wait3A = arith.constant 0 : i32
    %dma_wait3A_14 = arith.constant 0 : i32
    %dma_wait3A_15 = arith.constant 0 : i32
    %dma_wait3A_16 = tpu.memref_slice %arg6[%dma_wait3A_14, %dma_wait3A_15] : memref<256x256xf32, #tpu.memory_space<vmem>> -> memref<128x256xf32, #tpu.memory_space<vmem>>
    %dma_wait3A_17 = arith.constant 0 : i32
    %dma_wait3A_18 = tpu.memref_slice %arg5[%dma_wait3A, %dma_wait3A_17] : memref<2x128xi32, #tpu.memory_space<vmem>> -> memref<1x128xi32, #tpu.memory_space<vmem>>
    %dma_wait3A_19 = tpu.memref_squeeze %dma_wait3A_18 : memref<1x128xi32, #tpu.memory_space<vmem>> -> memref<128xi32, #tpu.memory_space<vmem>>
    %dma_wait3A_20 = arith.constant 0 : i32
    %dma_wait3A_21 = arith.constant 0 : i32
    %dma_wait3A_22 = tpu.memref_slice %arg2[%dma_wait3A_20, %dma_wait3A_21] : memref<8192x256xf32, #tpu.memory_space<hbm>> -> memref<8192x256xf32, #tpu.memory_space<hbm>>
    tpu.wait_indirect_dma semaphore(%arg7 : memref<!tpu.dma_semaphore, #tpu.memory_space<semaphore_mem>>) src(%dma_wait3A_22 : memref<8192x256xf32, #tpu.memory_space<hbm>>) dst(%dma_wait3A_16 : memref<128x256xf32, #tpu.memory_space<vmem>>)
    %add3A_23 = arith.constant 128 : i32
    %add3A_24 = arith.addi %mul3A_2, %add3A_23 : i32
    %run_scoped3A_25 = arith.constant 1 : i32
    "tpu.region"() ({
      %run_scoped3A_46 = tpu.sem_alloc : memref<!tpu.dma_semaphore, #tpu.memory_space<semaphore_mem>>
      %dma_start3A_47 = arith.constant 0 : i32
      %dma_start3A_48 = tpu.memref_slice %arg5[%run_scoped3A_25, %dma_start3A_47] : memref<2x128xi32, #tpu.memory_space<vmem>> -> memref<1x128xi32, #tpu.memory_space<vmem>>
      %dma_start3A_49 = tpu.memref_squeeze %dma_start3A_48 : memref<1x128xi32, #tpu.memory_space<vmem>> -> memref<128xi32, #tpu.memory_space<vmem>>
      %dma_start3A_50 = tpu.memref_slice %arg3[%add3A_24] : memref<8192xi32, #tpu.memory_space<hbm>> -> memref<128xi32, #tpu.memory_space<hbm>>
      %dma_start3A_51 = arith.constant 0 : i32
      %dma_start3A_52 = tpu.memref_slice %arg5[%run_scoped3A_25, %dma_start3A_51] : memref<2x128xi32, #tpu.memory_space<vmem>> -> memref<1x128xi32, #tpu.memory_space<vmem>>
      %dma_start3A_53 = tpu.memref_squeeze %dma_start3A_52 : memref<1x128xi32, #tpu.memory_space<vmem>> -> memref<128xi32, #tpu.memory_space<vmem>>
      %dma_start3A_54 = tpu.memref_slice %arg3[%add3A_24] : memref<8192xi32, #tpu.memory_space<hbm>> -> memref<128xi32, #tpu.memory_space<hbm>>
      tpu.enqueue_dma source(%dma_start3A_54 : memref<128xi32, #tpu.memory_space<hbm>>) target(%dma_start3A_53 : memref<128xi32, #tpu.memory_space<vmem>>) target_semaphore(%run_scoped3A_46 : memref<!tpu.dma_semaphore, #tpu.memory_space<semaphore_mem>>)
      %dma_wait3A_55 = arith.constant 0 : i32
      %dma_wait3A_56 = tpu.memref_slice %arg5[%run_scoped3A_25, %dma_wait3A_55] : memref<2x128xi32, #tpu.memory_space<vmem>> -> memref<1x128xi32, #tpu.memory_space<vmem>>
      %dma_wait3A_57 = tpu.memref_squeeze %dma_wait3A_56 : memref<1x128xi32, #tpu.memory_space<vmem>> -> memref<128xi32, #tpu.memory_space<vmem>>
      %dma_wait3A_58 = tpu.memref_slice %arg3[%add3A_24] : memref<8192xi32, #tpu.memory_space<hbm>> -> memref<128xi32, #tpu.memory_space<hbm>>
      %dma_wait3A_59 = arith.constant 0 : i32
      %dma_wait3A_60 = tpu.memref_slice %arg5[%run_scoped3A_25, %dma_wait3A_59] : memref<2x128xi32, #tpu.memory_space<vmem>> -> memref<1x128xi32, #tpu.memory_space<vmem>>
      %dma_wait3A_61 = tpu.memref_squeeze %dma_wait3A_60 : memref<1x128xi32, #tpu.memory_space<vmem>> -> memref<128xi32, #tpu.memory_space<vmem>>
      %dma_wait3A_62 = tpu.memref_slice %arg3[%add3A_24] : memref<8192xi32, #tpu.memory_space<hbm>> -> memref<128xi32, #tpu.memory_space<hbm>>
      tpu.wait_dma2 semaphore(%run_scoped3A_46 : memref<!tpu.dma_semaphore, #tpu.memory_space<semaphore_mem>>) src(%dma_wait3A_62 : memref<128xi32, #tpu.memory_space<hbm>>) dst(%dma_wait3A_61 : memref<128xi32, #tpu.memory_space<vmem>>)
      tpu.yield
    }) : () -> ()
    %dma_start3A_26 = arith.constant 1 : i32
    %dma_start3A_27 = arith.constant 128 : i32
    %dma_start3A_28 = arith.constant 0 : i32
    %dma_start3A_29 = tpu.memref_slice %arg6[%dma_start3A_27, %dma_start3A_28] : memref<256x256xf32, #tpu.memory_space<vmem>> -> memref<128x256xf32, #tpu.memory_space<vmem>>
    %dma_start3A_30 = arith.constant 0 : i32
    %dma_start3A_31 = tpu.memref_slice %arg5[%dma_start3A_26, %dma_start3A_30] : memref<2x128xi32, #tpu.memory_space<vmem>> -> memref<1x128xi32, #tpu.memory_space<vmem>>
    %dma_start3A_32 = tpu.memref_squeeze %dma_start3A_31 : memref<1x128xi32, #tpu.memory_space<vmem>> -> memref<128xi32, #tpu.memory_space<vmem>>
    %dma_start3A_33 = arith.constant 0 : i32
    %dma_start3A_34 = arith.constant 0 : i32
    %dma_start3A_35 = tpu.memref_slice %arg2[%dma_start3A_33, %dma_start3A_34] : memref<8192x256xf32, #tpu.memory_space<hbm>> -> memref<8192x256xf32, #tpu.memory_space<hbm>>
    tpu.enqueue_indirect_dma source(%dma_start3A_35 : memref<8192x256xf32, #tpu.memory_space<hbm>>) target(%dma_start3A_29 : memref<128x256xf32, #tpu.memory_space<vmem>>) offsets(%dma_start3A_32 : memref<128xi32, #tpu.memory_space<vmem>>) semaphore(%arg7 : memref<!tpu.dma_semaphore, #tpu.memory_space<semaphore_mem>>)
    %dma_wait3A_36 = arith.constant 1 : i32
    %dma_wait3A_37 = arith.constant 128 : i32
    %dma_wait3A_38 = arith.constant 0 : i32
    %dma_wait3A_39 = tpu.memref_slice %arg6[%dma_wait3A_37, %dma_wait3A_38] : memref<256x256xf32, #tpu.memory_space<vmem>> -> memref<128x256xf32, #tpu.memory_space<vmem>>
    %dma_wait3A_40 = arith.constant 0 : i32
    %dma_wait3A_41 = tpu.memref_slice %arg5[%dma_wait3A_36, %dma_wait3A_40] : memref<2x128xi32, #tpu.memory_space<vmem>> -> memref<1x128xi32, #tpu.memory_space<vmem>>
    %dma_wait3A_42 = tpu.memref_squeeze %dma_wait3A_41 : memref<1x128xi32, #tpu.memory_space<vmem>> -> memref<128xi32, #tpu.memory_space<vmem>>
    %dma_wait3A_43 = arith.constant 0 : i32
    %dma_wait3A_44 = arith.constant 0 : i32
    %dma_wait3A_45 = tpu.memref_slice %arg2[%dma_wait3A_43, %dma_wait3A_44] : memref<8192x256xf32, #tpu.memory_space<hbm>> -> memref<8192x256xf32, #tpu.memory_space<hbm>>
    tpu.wait_indirect_dma semaphore(%arg7 : memref<!tpu.dma_semaphore, #tpu.memory_space<semaphore_mem>>) src(%dma_wait3A_45 : memref<8192x256xf32, #tpu.memory_space<hbm>>) dst(%dma_wait3A_39 : memref<128x256xf32, #tpu.memory_space<vmem>>)
    "tpu.region"() ({
      %run_scoped3A_46 = tpu.sem_alloc : memref<!tpu.dma_semaphore, #tpu.memory_space<semaphore_mem>>
      %dma_start3A_47 = arith.constant 0 : i32
      %dma_start3A_48 = tpu.memref_slice %arg4[%mul3A_2, %dma_start3A_47] : memref<8192x256xf32, #tpu.memory_space<hbm>> -> memref<256x256xf32, #tpu.memory_space<hbm>>
      %dma_start3A_49 = arith.constant 0 : i32
      %dma_start3A_50 = tpu.memref_slice %arg4[%mul3A_2, %dma_start3A_49] : memref<8192x256xf32, #tpu.memory_space<hbm>> -> memref<256x256xf32, #tpu.memory_space<hbm>>
      tpu.enqueue_dma source(%arg6 : memref<256x256xf32, #tpu.memory_space<vmem>>) target(%dma_start3A_50 : memref<256x256xf32, #tpu.memory_space<hbm>>) target_semaphore(%run_scoped3A_46 : memref<!tpu.dma_semaphore, #tpu.memory_space<semaphore_mem>>)
      %dma_wait3A_51 = arith.constant 0 : i32
      %dma_wait3A_52 = tpu.memref_slice %arg4[%mul3A_2, %dma_wait3A_51] : memref<8192x256xf32, #tpu.memory_space<hbm>> -> memref<256x256xf32, #tpu.memory_space<hbm>>
      %dma_wait3A_53 = arith.constant 0 : i32
      %dma_wait3A_54 = tpu.memref_slice %arg4[%mul3A_2, %dma_wait3A_53] : memref<8192x256xf32, #tpu.memory_space<hbm>> -> memref<256x256xf32, #tpu.memory_space<hbm>>
      tpu.wait_dma2 semaphore(%run_scoped3A_46 : memref<!tpu.dma_semaphore, #tpu.memory_space<semaphore_mem>>) src(%arg6 : memref<256x256xf32, #tpu.memory_space<vmem>>) dst(%dma_wait3A_54 : memref<256x256xf32, #tpu.memory_space<hbm>>)
      tpu.yield
    }) : () -> ()
    return
  }
}

module attributes {stable_mosaic.version = 14 : i64} {
  func.func @_st_body(%arg0: i32, %arg1: memref<1x256x1024xf32, #tpu.memory_space<vmem>>, %arg2: memref<1024x256xf32, #tpu.memory_space<vmem>>, %arg3: memref<1x256x1024xf32, #tpu.memory_space<vmem>>) attributes {dimension_semantics = [#tpu.dimension_semantics<arbitrary>], iteration_bounds = array<i64: 8>, scalar_prefetch = 0 : i64, scratch_operands = 0 : i64, tpu.core_type = #tpu.core_type<tc>, window_params = [{transform_indices = @transform_0, window_bounds = array<i64: 1, 256, 1024>}, {transform_indices = @transform_1, window_bounds = array<i64: 1024, 256>}, {transform_indices = @transform_2, window_bounds = array<i64: 1, 256, 1024>}]} {
    %get3A = arith.constant 0 : index
    %get3A_0 = arith.constant 0 : index
    %get3A_1 = arith.constant 0 : index
    %get3A_2 = vector.load %arg1[%get3A, %get3A_0, %get3A_1] : memref<1x256x1024xf32, #tpu.memory_space<vmem>>, vector<1x256x1024xf32>
    %get3A_3 = vector.shape_cast %get3A_2 : vector<1x256x1024xf32> to vector<256x1024xf32>
    %get3A_4 = arith.constant 0 : index
    %get3A_5 = arith.constant 0 : index
    %get3A_6 = vector.load %arg2[%get3A_4, %get3A_5] : memref<1024x256xf32, #tpu.memory_space<vmem>>, vector<1024x256xf32>
    %transpose3A = tpu.transpose %get3A_6, [1, 0] : vector<1024x256xf32> -> vector<256x1024xf32>
    %sub3A = arith.subf %transpose3A, %get3A_3 : vector<256x1024xf32>
    %add3A = arith.addf %get3A_3, %sub3A : vector<256x1024xf32>
    %swap3A = arith.constant 0 : index
    %swap3A_7 = arith.constant 0 : index
    %swap3A_8 = arith.constant 0 : index
    %swap3A_9 = vector.load %arg3[%swap3A, %swap3A_7, %swap3A_8] : memref<1x256x1024xf32, #tpu.memory_space<vmem>>, vector<1x256x1024xf32>
    %swap3A_10 = vector.shape_cast %swap3A_9 : vector<1x256x1024xf32> to vector<256x1024xf32>
    %swap3A_11 = vector.shape_cast %add3A : vector<256x1024xf32> to vector<1x256x1024xf32>
    tpu.vector_store %arg3[%swap3A, %swap3A_7, %swap3A_8], %swap3A_11 {strides = array<i32>} : memref<1x256x1024xf32, #tpu.memory_space<vmem>>, vector<1x256x1024xf32>,
    return
  }
  func.func @transform_0(%arg0: i32) -> (i32, i32, i32) {
    %c0_i32 = arith.constant 0 : i32
    %c0_i32_0 = arith.constant 0 : i32
    %c0_i32_1 = arith.constant 0 : i32
    return %arg0, %c0_i32, %c0_i32_0 : i32, i32, i32
  }
  func.func @transform_1(%arg0: i32) -> (i32, i32) {
    %c0_i32 = arith.constant 0 : i32
    %c0_i32_0 = arith.constant 0 : i32
    return %arg0, %c0_i32 : i32, i32
  }
  func.func @transform_2(%arg0: i32) -> (i32, i32, i32) {
    %c0_i32 = arith.constant 0 : i32
    %c0_i32_0 = arith.constant 0 : i32
    %c0_i32_1 = arith.constant 0 : i32
    return %arg0, %c0_i32, %c0_i32_0 : i32, i32, i32
  }
}

module attributes {stable_mosaic.version = 14 : i64} {
  func.func @_dist_argmin_body(%arg0: i32, %arg1: memref<1x256x1024xf32, #tpu.memory_space<vmem>>, %arg2: memref<8192x256xf32, #tpu.memory_space<vmem>>, %arg3: memref<1024x1xi32, #tpu.memory_space<vmem>>, %arg4: memref<1x1xf32, #tpu.memory_space<smem>>, %arg5: memref<1024x128xf32, #tpu.memory_space<vmem>>, %arg6: memref<8x8192xf32, #tpu.memory_space<vmem>>, %arg7: memref<1024x128xf32, #tpu.memory_space<vmem>>) attributes {dimension_semantics = [#tpu.dimension_semantics<arbitrary>], iteration_bounds = array<i64: 8>, scalar_prefetch = 0 : i64, scratch_operands = 3 : i64, tpu.core_type = #tpu.core_type<tc>, window_params = [{transform_indices = @transform_0, window_bounds = array<i64: 1, 256, 1024>}, {pipeline_mode = #tpu.pipeline_mode<synchronous>, transform_indices = @transform_1, window_bounds = array<i64: 8192, 256>}, {transform_indices = @transform_2, window_bounds = array<i64: 1024, 1>}, {transform_indices = @transform_3, window_bounds = array<i64: 1, 1>}]} {
    %eq3A = arith.constant 0 : i32
    %eq3A_0 = arith.cmpi eq, %arg0, %eq3A : i32
    %convert_element_type3A = arith.extui %eq3A_0 : i1 to i32
    %cond3A = arith.constant 0 : i32
    %cond3A_1 = arith.cmpi ne, %convert_element_type3A, %cond3A : i32
    scf.if %cond3A_1 {
      %iota3A = tpu.iota {dimensions = array<i32: 1>} : vector<1024x128xi32>
      %convert_element_type3A_1057 = arith.sitofp %iota3A : vector<1024x128xi32> to vector<1024x128xf32>
      %swap3A_1058 = arith.constant 0 : index
      %swap3A_1059 = arith.constant 0 : index
      %swap3A_1060 = vector.load %arg7[%swap3A_1058, %swap3A_1059] : memref<1024x128xf32, #tpu.memory_space<vmem>>, vector<1024x128xf32>
      tpu.vector_store %arg7[%swap3A_1058, %swap3A_1059], %convert_element_type3A_1057 {strides = array<i32>} : memref<1024x128xf32, #tpu.memory_space<vmem>>, vector<1024x128xf32>,
      %get3A_1061 = arith.constant 0 : index
      %get3A_1062 = arith.constant 0 : index
      %get3A_1063 = vector.load %arg2[%get3A_1061, %get3A_1062] : memref<8192x256xf32, #tpu.memory_space<vmem>>, vector<8192x256xf32>
      %mul3A_1064 = arith.mulf %get3A_1063, %get3A_1063 : vector<8192x256xf32>
      %reduce_sum3A_1065 = arith.constant dense<0.000000e+00> : vector<8192xf32>
      %reduce_sum3A_1066 = vector.multi_reduction <add>, %mul3A_1064, %reduce_sum3A_1065 [1] : vector<8192x256xf32> to vector<8192xf32>
      %broadcast_in_dim3A_1067 = vector.shape_cast %reduce_sum3A_1066 : vector<8192xf32> to vector<1x8192xf32>
      %broadcast_in_dim3A_1068 = vector.shape_cast %broadcast_in_dim3A_1067 : vector<1x8192xf32> to vector<1x8192xf32>
      %broadcast_in_dim3A_1069 = vector.broadcast %broadcast_in_dim3A_1068 : vector<1x8192xf32> to vector<8x8192xf32>
      %swap3A_1070 = arith.constant 0 : index
      %swap3A_1071 = arith.constant 0 : index
      %swap3A_1072 = vector.load %arg6[%swap3A_1070, %swap3A_1071] : memref<8x8192xf32, #tpu.memory_space<vmem>>, vector<8x8192xf32>
      tpu.vector_store %arg6[%swap3A_1070, %swap3A_1071], %broadcast_in_dim3A_1069 {strides = array<i32>} : memref<8x8192xf32, #tpu.memory_space<vmem>>, vector<8x8192xf32>,
    } else {
    }
    %get3A = arith.constant 0 : index
    %get3A_2 = arith.constant 0 : index
    %get3A_3 = arith.constant 0 : index
    %get3A_4 = vector.load %arg1[%get3A, %get3A_2, %get3A_3] : memref<1x256x1024xf32, #tpu.memory_space<vmem>>, vector<1x256x1024xf32>
    %get3A_5 = vector.shape_cast %get3A_4 : vector<1x256x1024xf32> to vector<256x1024xf32>
    %transpose3A = tpu.transpose %get3A_5, [1, 0] : vector<256x1024xf32> -> vector<1024x256xf32>
    %mul3A = arith.constant -2.000000e+00 : f32
    %mul3A_6 = vector.broadcast %mul3A : f32 to vector<1024x256xf32>
    %mul3A_7 = arith.mulf %transpose3A, %mul3A_6 : vector<1024x256xf32>
    %mul3A_8 = arith.mulf %mul3A_7, %mul3A_7 : vector<1024x256xf32>
    %reduce_sum3A = arith.constant dense<0.000000e+00> : vector<1024xf32>
    %reduce_sum3A_9 = vector.multi_reduction <add>, %mul3A_8, %reduce_sum3A [1] : vector<1024x256xf32> to vector<1024xf32>
    %broadcast_in_dim3A = vector.shape_cast %reduce_sum3A_9 : vector<1024xf32> to vector<1024x1xf32>
    %mul3A_10 = arith.constant 2.500000e-01 : f32
    %mul3A_11 = vector.broadcast %mul3A_10 : f32 to vector<1024x1xf32>
    %mul3A_12 = arith.mulf %mul3A_11, %broadcast_in_dim3A : vector<1024x1xf32>
    %broadcast_in_dim3A_13 = vector.shape_cast %mul3A_12 : vector<1024x1xf32> to vector<1024x1xf32>
    %broadcast_in_dim3A_14 = vector.broadcast %broadcast_in_dim3A_13 : vector<1024x1xf32> to vector<1024x128xf32>
    %swap3A = arith.constant 0 : index
    %swap3A_15 = arith.constant 0 : index
    %swap3A_16 = vector.load %arg5[%swap3A, %swap3A_15] : memref<1024x128xf32, #tpu.memory_space<vmem>>, vector<1024x128xf32>
    tpu.vector_store %arg5[%swap3A, %swap3A_15], %broadcast_in_dim3A_14 {strides = array<i32>} : memref<1024x128xf32, #tpu.memory_space<vmem>>, vector<1024x128xf32>,
    %get3A_17 = arith.constant 0 : index
    %get3A_18 = arith.constant 0 : index
    %get3A_19 = vector.load %arg5[%get3A_17, %get3A_18] : memref<1024x128xf32, #tpu.memory_space<vmem>>, vector<1024x128xf32>
    %broadcast_in_dim3A_20 = arith.constant 0x7F800000 : f32
    %broadcast_in_dim3A_21 = vector.broadcast %broadcast_in_dim3A_20 : f32 to vector<1024x128xf32>
    %broadcast_in_dim3A_22 = arith.constant 0.000000e+00 : f32
    %broadcast_in_dim3A_23 = vector.broadcast %broadcast_in_dim3A_22 : f32 to vector<1024x128xf32>
    %get3A_24 = arith.constant 0 : index
    %get3A_25 = arith.constant 0 : index
    %get3A_26 = vector.load %arg2[%get3A_24, %get3A_25] : memref<8192x256xf32, #tpu.memory_space<vmem>>, vector<1024x256xf32>
    %dot_general3A = arith.constant dense<0.000000e+00> : vector<1024x1024xf32>
    %dot_general3A_27 = tpu.matmul %mul3A_7, %get3A_26, %dot_general3A {dimension_numbers = #tpu.dot_dimension_numbers<[1], [1], [0], [0], [0, 0, 1, 0], [], []>, transpose_lhs_hint = false} : vector<1024x256xf32>, vector<1024x256xf32>, vector<1024x1024xf32> -> vector<1024x1024xf32>
    %get3A_28 = arith.constant 0 : index
    %get3A_29 = arith.constant 0 : index
    %get3A_30 = vector.load %arg6[%get3A_28, %get3A_29] : memref<8x8192xf32, #tpu.memory_space<vmem>>, vector<8x128xf32>
    %reshape3A = vector.shape_cast %get3A_30 : vector<8x128xf32> to vector<1x8x128xf32>
    %broadcast_in_dim3A_31 = vector.shape_cast %reshape3A : vector<1x8x128xf32> to vector<1x8x128xf32>
    %broadcast_in_dim3A_32 = vector.broadcast %broadcast_in_dim3A_31 : vector<1x8x128xf32> to vector<128x8x128xf32>
    %reshape3A_33 = vector.shape_cast %broadcast_in_dim3A_32 : vector<128x8x128xf32> to vector<1024x128xf32>
    %add3A = arith.addf %get3A_19, %reshape3A_33 : vector<1024x128xf32>
    %slice3A = vector.extract_strided_slice %dot_general3A_27 {offsets = [0, 0], sizes = [1024, 128], strides = [1, 1]} : vector<1024x1024xf32> to vector<1024x128xf32>
    %add3A_34 = arith.addf %add3A, %slice3A : vector<1024x128xf32>
    %lt3A = arith.cmpf olt, %add3A_34, %broadcast_in_dim3A_21 : vector<1024x128xf32>
    %select_n3A = arith.select %lt3A, %add3A_34, %broadcast_in_dim3A_21 : vector<1024x128xi1>, vector<1024x128xf32>
    %jit3A = arith.constant 0.000000e+00 : f32
    %broadcast_in_dim3A_35 = vector.broadcast %jit3A : f32 to vector<1024x128xf32>
    %select_n3A_36 = arith.select %lt3A, %broadcast_in_dim3A_35, %broadcast_in_dim3A_23 : vector<1024x128xi1>, vector<1024x128xf32>
    %get3A_37 = arith.constant 0 : index
    %get3A_38 = arith.constant 128 : index
    %get3A_39 = vector.load %arg6[%get3A_37, %get3A_38] : memref<8x8192xf32, #tpu.memory_space<vmem>>, vector<8x128xf32>
    %reshape3A_40 = vector.shape_cast %get3A_39 : vector<8x128xf32> to vector<1x8x128xf32>
    %broadcast_in_dim3A_41 = vector.shape_cast %reshape3A_40 : vector<1x8x128xf32> to vector<1x8x128xf32>
    %broadcast_in_dim3A_42 = vector.broadcast %broadcast_in_dim3A_41 : vector<1x8x128xf32> to vector<128x8x128xf32>
    %reshape3A_43 = vector.shape_cast %broadcast_in_dim3A_42 : vector<128x8x128xf32> to vector<1024x128xf32>
    %add3A_44 = arith.addf %get3A_19, %reshape3A_43 : vector<1024x128xf32>
    %slice3A_45 = vector.extract_strided_slice %dot_general3A_27 {offsets = [0, 128], sizes = [1024, 128], strides = [1, 1]} : vector<1024x1024xf32> to vector<1024x128xf32>
    %add3A_46 = arith.addf %add3A_44, %slice3A_45 : vector<1024x128xf32>
    %lt3A_47 = arith.cmpf olt, %add3A_46, %select_n3A : vector<1024x128xf32>
    %select_n3A_48 = arith.select %lt3A_47, %add3A_46, %select_n3A : vector<1024x128xi1>, vector<1024x128xf32>
    %jit3A_49 = arith.constant 1.000000e+00 : f32
    %broadcast_in_dim3A_50 = vector.broadcast %jit3A_49 : f32 to vector<1024x128xf32>
    %select_n3A_51 = arith.select %lt3A_47, %broadcast_in_dim3A_50, %select_n3A_36 : vector<1024x128xi1>, vector<1024x128xf32>
    %get3A_52 = arith.constant 0 : index
    %get3A_53 = arith.constant 256 : index
    %get3A_54 = vector.load %arg6[%get3A_52, %get3A_53] : memref<8x8192xf32, #tpu.memory_space<vmem>>, vector<8x128xf32>
    %reshape3A_55 = vector.shape_cast %get3A_54 : vector<8x128xf32> to vector<1x8x128xf32>
    %broadcast_in_dim3A_56 = vector.shape_cast %reshape3A_55 : vector<1x8x128xf32> to vector<1x8x128xf32>
    %broadcast_in_dim3A_57 = vector.broadcast %broadcast_in_dim3A_56 : vector<1x8x128xf32> to vector<128x8x128xf32>
    %reshape3A_58 = vector.shape_cast %broadcast_in_dim3A_57 : vector<128x8x128xf32> to vector<1024x128xf32>
    %add3A_59 = arith.addf %get3A_19, %reshape3A_58 : vector<1024x128xf32>
    %slice3A_60 = vector.extract_strided_slice %dot_general3A_27 {offsets = [0, 256], sizes = [1024, 128], strides = [1, 1]} : vector<1024x1024xf32> to vector<1024x128xf32>
    %add3A_61 = arith.addf %add3A_59, %slice3A_60 : vector<1024x128xf32>
    %lt3A_62 = arith.cmpf olt, %add3A_61, %select_n3A_48 : vector<1024x128xf32>
    %select_n3A_63 = arith.select %lt3A_62, %add3A_61, %select_n3A_48 : vector<1024x128xi1>, vector<1024x128xf32>
    %jit3A_64 = arith.constant 2.000000e+00 : f32
    %broadcast_in_dim3A_65 = vector.broadcast %jit3A_64 : f32 to vector<1024x128xf32>
    %select_n3A_66 = arith.select %lt3A_62, %broadcast_in_dim3A_65, %select_n3A_51 : vector<1024x128xi1>, vector<1024x128xf32>
    %get3A_67 = arith.constant 0 : index
    %get3A_68 = arith.constant 384 : index
    %get3A_69 = vector.load %arg6[%get3A_67, %get3A_68] : memref<8x8192xf32, #tpu.memory_space<vmem>>, vector<8x128xf32>
    %reshape3A_70 = vector.shape_cast %get3A_69 : vector<8x128xf32> to vector<1x8x128xf32>
    %broadcast_in_dim3A_71 = vector.shape_cast %reshape3A_70 : vector<1x8x128xf32> to vector<1x8x128xf32>
    %broadcast_in_dim3A_72 = vector.broadcast %broadcast_in_dim3A_71 : vector<1x8x128xf32> to vector<128x8x128xf32>
    %reshape3A_73 = vector.shape_cast %broadcast_in_dim3A_72 : vector<128x8x128xf32> to vector<1024x128xf32>
    %add3A_74 = arith.addf %get3A_19, %reshape3A_73 : vector<1024x128xf32>
    %slice3A_75 = vector.extract_strided_slice %dot_general3A_27 {offsets = [0, 384], sizes = [1024, 128], strides = [1, 1]} : vector<1024x1024xf32> to vector<1024x128xf32>
    %add3A_76 = arith.addf %add3A_74, %slice3A_75 : vector<1024x128xf32>
    %lt3A_77 = arith.cmpf olt, %add3A_76, %select_n3A_63 : vector<1024x128xf32>
    %select_n3A_78 = arith.select %lt3A_77, %add3A_76, %select_n3A_63 : vector<1024x128xi1>, vector<1024x128xf32>
    %jit3A_79 = arith.constant 3.000000e+00 : f32
    %broadcast_in_dim3A_80 = vector.broadcast %jit3A_79 : f32 to vector<1024x128xf32>
    %select_n3A_81 = arith.select %lt3A_77, %broadcast_in_dim3A_80, %select_n3A_66 : vector<1024x128xi1>, vector<1024x128xf32>
    %get3A_82 = arith.constant 0 : index
    %get3A_83 = arith.constant 512 : index
    %get3A_84 = vector.load %arg6[%get3A_82, %get3A_83] : memref<8x8192xf32, #tpu.memory_space<vmem>>, vector<8x128xf32>
    %reshape3A_85 = vector.shape_cast %get3A_84 : vector<8x128xf32> to vector<1x8x128xf32>
    %broadcast_in_dim3A_86 = vector.shape_cast %reshape3A_85 : vector<1x8x128xf32> to vector<1x8x128xf32>
    %broadcast_in_dim3A_87 = vector.broadcast %broadcast_in_dim3A_86 : vector<1x8x128xf32> to vector<128x8x128xf32>
    %reshape3A_88 = vector.shape_cast %broadcast_in_dim3A_87 : vector<128x8x128xf32> to vector<1024x128xf32>
    %add3A_89 = arith.addf %get3A_19, %reshape3A_88 : vector<1024x128xf32>
    %slice3A_90 = vector.extract_strided_slice %dot_general3A_27 {offsets = [0, 512], sizes = [1024, 128], strides = [1, 1]} : vector<1024x1024xf32> to vector<1024x128xf32>
    %add3A_91 = arith.addf %add3A_89, %slice3A_90 : vector<1024x128xf32>
    %lt3A_92 = arith.cmpf olt, %add3A_91, %select_n3A_78 : vector<1024x128xf32>
    %select_n3A_93 = arith.select %lt3A_92, %add3A_91, %select_n3A_78 : vector<1024x128xi1>, vector<1024x128xf32>
    %jit3A_94 = arith.constant 4.000000e+00 : f32
    %broadcast_in_dim3A_95 = vector.broadcast %jit3A_94 : f32 to vector<1024x128xf32>
    %select_n3A_96 = arith.select %lt3A_92, %broadcast_in_dim3A_95, %select_n3A_81 : vector<1024x128xi1>, vector<1024x128xf32>
    %get3A_97 = arith.constant 0 : index
    %get3A_98 = arith.constant 640 : index
    %get3A_99 = vector.load %arg6[%get3A_97, %get3A_98] : memref<8x8192xf32, #tpu.memory_space<vmem>>, vector<8x128xf32>
    %reshape3A_100 = vector.shape_cast %get3A_99 : vector<8x128xf32> to vector<1x8x128xf32>
    %broadcast_in_dim3A_101 = vector.shape_cast %reshape3A_100 : vector<1x8x128xf32> to vector<1x8x128xf32>
    %broadcast_in_dim3A_102 = vector.broadcast %broadcast_in_dim3A_101 : vector<1x8x128xf32> to vector<128x8x128xf32>
    %reshape3A_103 = vector.shape_cast %broadcast_in_dim3A_102 : vector<128x8x128xf32> to vector<1024x128xf32>
    %add3A_104 = arith.addf %get3A_19, %reshape3A_103 : vector<1024x128xf32>
    %slice3A_105 = vector.extract_strided_slice %dot_general3A_27 {offsets = [0, 640], sizes = [1024, 128], strides = [1, 1]} : vector<1024x1024xf32> to vector<1024x128xf32>
    %add3A_106 = arith.addf %add3A_104, %slice3A_105 : vector<1024x128xf32>
    %lt3A_107 = arith.cmpf olt, %add3A_106, %select_n3A_93 : vector<1024x128xf32>
    %select_n3A_108 = arith.select %lt3A_107, %add3A_106, %select_n3A_93 : vector<1024x128xi1>, vector<1024x128xf32>
    %jit3A_109 = arith.constant 5.000000e+00 : f32
    %broadcast_in_dim3A_110 = vector.broadcast %jit3A_109 : f32 to vector<1024x128xf32>
    %select_n3A_111 = arith.select %lt3A_107, %broadcast_in_dim3A_110, %select_n3A_96 : vector<1024x128xi1>, vector<1024x128xf32>
    %get3A_112 = arith.constant 0 : index
    %get3A_113 = arith.constant 768 : index
    %get3A_114 = vector.load %arg6[%get3A_112, %get3A_113] : memref<8x8192xf32, #tpu.memory_space<vmem>>, vector<8x128xf32>
    %reshape3A_115 = vector.shape_cast %get3A_114 : vector<8x128xf32> to vector<1x8x128xf32>
    %broadcast_in_dim3A_116 = vector.shape_cast %reshape3A_115 : vector<1x8x128xf32> to vector<1x8x128xf32>
    %broadcast_in_dim3A_117 = vector.broadcast %broadcast_in_dim3A_116 : vector<1x8x128xf32> to vector<128x8x128xf32>
    %reshape3A_118 = vector.shape_cast %broadcast_in_dim3A_117 : vector<128x8x128xf32> to vector<1024x128xf32>
    %add3A_119 = arith.addf %get3A_19, %reshape3A_118 : vector<1024x128xf32>
    %slice3A_120 = vector.extract_strided_slice %dot_general3A_27 {offsets = [0, 768], sizes = [1024, 128], strides = [1, 1]} : vector<1024x1024xf32> to vector<1024x128xf32>
    %add3A_121 = arith.addf %add3A_119, %slice3A_120 : vector<1024x128xf32>
    %lt3A_122 = arith.cmpf olt, %add3A_121, %select_n3A_108 : vector<1024x128xf32>
    %select_n3A_123 = arith.select %lt3A_122, %add3A_121, %select_n3A_108 : vector<1024x128xi1>, vector<1024x128xf32>
    %jit3A_124 = arith.constant 6.000000e+00 : f32
    %broadcast_in_dim3A_125 = vector.broadcast %jit3A_124 : f32 to vector<1024x128xf32>
    %select_n3A_126 = arith.select %lt3A_122, %broadcast_in_dim3A_125, %select_n3A_111 : vector<1024x128xi1>, vector<1024x128xf32>
    %get3A_127 = arith.constant 0 : index
    %get3A_128 = arith.constant 896 : index
    %get3A_129 = vector.load %arg6[%get3A_127, %get3A_128] : memref<8x8192xf32, #tpu.memory_space<vmem>>, vector<8x128xf32>
    %reshape3A_130 = vector.shape_cast %get3A_129 : vector<8x128xf32> to vector<1x8x128xf32>
    %broadcast_in_dim3A_131 = vector.shape_cast %reshape3A_130 : vector<1x8x128xf32> to vector<1x8x128xf32>
    %broadcast_in_dim3A_132 = vector.broadcast %broadcast_in_dim3A_131 : vector<1x8x128xf32> to vector<128x8x128xf32>
    %reshape3A_133 = vector.shape_cast %broadcast_in_dim3A_132 : vector<128x8x128xf32> to vector<1024x128xf32>
    %add3A_134 = arith.addf %get3A_19, %reshape3A_133 : vector<1024x128xf32>
    %slice3A_135 = vector.extract_strided_slice %dot_general3A_27 {offsets = [0, 896], sizes = [1024, 128], strides = [1, 1]} : vector<1024x1024xf32> to vector<1024x128xf32>
    %add3A_136 = arith.addf %add3A_134, %slice3A_135 : vector<1024x128xf32>
    %lt3A_137 = arith.cmpf olt, %add3A_136, %select_n3A_123 : vector<1024x128xf32>
    %select_n3A_138 = arith.select %lt3A_137, %add3A_136, %select_n3A_123 : vector<1024x128xi1>, vector<1024x128xf32>
    %jit3A_139 = arith.constant 7.000000e+00 : f32
    %broadcast_in_dim3A_140 = vector.broadcast %jit3A_139 : f32 to vector<1024x128xf32>
    %select_n3A_141 = arith.select %lt3A_137, %broadcast_in_dim3A_140, %select_n3A_126 : vector<1024x128xi1>, vector<1024x128xf32>
    %get3A_142 = arith.constant 1024 : index
    %get3A_143 = arith.constant 0 : index
    %get3A_144 = vector.load %arg2[%get3A_142, %get3A_143] : memref<8192x256xf32, #tpu.memory_space<vmem>>, vector<1024x256xf32>
    %dot_general3A_145 = arith.constant dense<0.000000e+00> : vector<1024x1024xf32>
    %dot_general3A_146 = tpu.matmul %mul3A_7, %get3A_144, %dot_general3A_145 {dimension_numbers = #tpu.dot_dimension_numbers<[1], [1], [0], [0], [0, 0, 1, 0], [], []>, transpose_lhs_hint = false} : vector<1024x256xf32>, vector<1024x256xf32>, vector<1024x1024xf32> -> vector<1024x1024xf32>
    %get3A_147 = arith.constant 0 : index
    %get3A_148 = arith.constant 1024 : index
    %get3A_149 = vector.load %arg6[%get3A_147, %get3A_148] : memref<8x8192xf32, #tpu.memory_space<vmem>>, vector<8x128xf32>
    %reshape3A_150 = vector.shape_cast %get3A_149 : vector<8x128xf32> to vector<1x8x128xf32>
    %broadcast_in_dim3A_151 = vector.shape_cast %reshape3A_150 : vector<1x8x128xf32> to vector<1x8x128xf32>
    %broadcast_in_dim3A_152 = vector.broadcast %broadcast_in_dim3A_151 : vector<1x8x128xf32> to vector<128x8x128xf32>
    %reshape3A_153 = vector.shape_cast %broadcast_in_dim3A_152 : vector<128x8x128xf32> to vector<1024x128xf32>
    %add3A_154 = arith.addf %get3A_19, %reshape3A_153 : vector<1024x128xf32>
    %slice3A_155 = vector.extract_strided_slice %dot_general3A_146 {offsets = [0, 0], sizes = [1024, 128], strides = [1, 1]} : vector<1024x1024xf32> to vector<1024x128xf32>
    %add3A_156 = arith.addf %add3A_154, %slice3A_155 : vector<1024x128xf32>
    %lt3A_157 = arith.cmpf olt, %add3A_156, %select_n3A_138 : vector<1024x128xf32>
    %select_n3A_158 = arith.select %lt3A_157, %add3A_156, %select_n3A_138 : vector<1024x128xi1>, vector<1024x128xf32>
    %jit3A_159 = arith.constant 8.000000e+00 : f32
    %broadcast_in_dim3A_160 = vector.broadcast %jit3A_159 : f32 to vector<1024x128xf32>
    %select_n3A_161 = arith.select %lt3A_157, %broadcast_in_dim3A_160, %select_n3A_141 : vector<1024x128xi1>, vector<1024x128xf32>
    %get3A_162 = arith.constant 0 : index
    %get3A_163 = arith.constant 1152 : index
    %get3A_164 = vector.load %arg6[%get3A_162, %get3A_163] : memref<8x8192xf32, #tpu.memory_space<vmem>>, vector<8x128xf32>
    %reshape3A_165 = vector.shape_cast %get3A_164 : vector<8x128xf32> to vector<1x8x128xf32>
    %broadcast_in_dim3A_166 = vector.shape_cast %reshape3A_165 : vector<1x8x128xf32> to vector<1x8x128xf32>
    %broadcast_in_dim3A_167 = vector.broadcast %broadcast_in_dim3A_166 : vector<1x8x128xf32> to vector<128x8x128xf32>
    %reshape3A_168 = vector.shape_cast %broadcast_in_dim3A_167 : vector<128x8x128xf32> to vector<1024x128xf32>
    %add3A_169 = arith.addf %get3A_19, %reshape3A_168 : vector<1024x128xf32>
    %slice3A_170 = vector.extract_strided_slice %dot_general3A_146 {offsets = [0, 128], sizes = [1024, 128], strides = [1, 1]} : vector<1024x1024xf32> to vector<1024x128xf32>
    %add3A_171 = arith.addf %add3A_169, %slice3A_170 : vector<1024x128xf32>
    %lt3A_172 = arith.cmpf olt, %add3A_171, %select_n3A_158 : vector<1024x128xf32>
    %select_n3A_173 = arith.select %lt3A_172, %add3A_171, %select_n3A_158 : vector<1024x128xi1>, vector<1024x128xf32>
    %jit3A_174 = arith.constant 9.000000e+00 : f32
    %broadcast_in_dim3A_175 = vector.broadcast %jit3A_174 : f32 to vector<1024x128xf32>
    %select_n3A_176 = arith.select %lt3A_172, %broadcast_in_dim3A_175, %select_n3A_161 : vector<1024x128xi1>, vector<1024x128xf32>
    %get3A_177 = arith.constant 0 : index
    %get3A_178 = arith.constant 1280 : index
    %get3A_179 = vector.load %arg6[%get3A_177, %get3A_178] : memref<8x8192xf32, #tpu.memory_space<vmem>>, vector<8x128xf32>
    %reshape3A_180 = vector.shape_cast %get3A_179 : vector<8x128xf32> to vector<1x8x128xf32>
    %broadcast_in_dim3A_181 = vector.shape_cast %reshape3A_180 : vector<1x8x128xf32> to vector<1x8x128xf32>
    %broadcast_in_dim3A_182 = vector.broadcast %broadcast_in_dim3A_181 : vector<1x8x128xf32> to vector<128x8x128xf32>
    %reshape3A_183 = vector.shape_cast %broadcast_in_dim3A_182 : vector<128x8x128xf32> to vector<1024x128xf32>
    %add3A_184 = arith.addf %get3A_19, %reshape3A_183 : vector<1024x128xf32>
    %slice3A_185 = vector.extract_strided_slice %dot_general3A_146 {offsets = [0, 256], sizes = [1024, 128], strides = [1, 1]} : vector<1024x1024xf32> to vector<1024x128xf32>
    %add3A_186 = arith.addf %add3A_184, %slice3A_185 : vector<1024x128xf32>
    %lt3A_187 = arith.cmpf olt, %add3A_186, %select_n3A_173 : vector<1024x128xf32>
    %select_n3A_188 = arith.select %lt3A_187, %add3A_186, %select_n3A_173 : vector<1024x128xi1>, vector<1024x128xf32>
    %jit3A_189 = arith.constant 1.000000e+01 : f32
    %broadcast_in_dim3A_190 = vector.broadcast %jit3A_189 : f32 to vector<1024x128xf32>
    %select_n3A_191 = arith.select %lt3A_187, %broadcast_in_dim3A_190, %select_n3A_176 : vector<1024x128xi1>, vector<1024x128xf32>
    %get3A_192 = arith.constant 0 : index
    %get3A_193 = arith.constant 1408 : index
    %get3A_194 = vector.load %arg6[%get3A_192, %get3A_193] : memref<8x8192xf32, #tpu.memory_space<vmem>>, vector<8x128xf32>
    %reshape3A_195 = vector.shape_cast %get3A_194 : vector<8x128xf32> to vector<1x8x128xf32>
    %broadcast_in_dim3A_196 = vector.shape_cast %reshape3A_195 : vector<1x8x128xf32> to vector<1x8x128xf32>
    %broadcast_in_dim3A_197 = vector.broadcast %broadcast_in_dim3A_196 : vector<1x8x128xf32> to vector<128x8x128xf32>
    %reshape3A_198 = vector.shape_cast %broadcast_in_dim3A_197 : vector<128x8x128xf32> to vector<1024x128xf32>
    %add3A_199 = arith.addf %get3A_19, %reshape3A_198 : vector<1024x128xf32>
    %slice3A_200 = vector.extract_strided_slice %dot_general3A_146 {offsets = [0, 384], sizes = [1024, 128], strides = [1, 1]} : vector<1024x1024xf32> to vector<1024x128xf32>
    %add3A_201 = arith.addf %add3A_199, %slice3A_200 : vector<1024x128xf32>
    %lt3A_202 = arith.cmpf olt, %add3A_201, %select_n3A_188 : vector<1024x128xf32>
    %select_n3A_203 = arith.select %lt3A_202, %add3A_201, %select_n3A_188 : vector<1024x128xi1>, vector<1024x128xf32>
    %jit3A_204 = arith.constant 1.100000e+01 : f32
    %broadcast_in_dim3A_205 = vector.broadcast %jit3A_204 : f32 to vector<1024x128xf32>
    %select_n3A_206 = arith.select %lt3A_202, %broadcast_in_dim3A_205, %select_n3A_191 : vector<1024x128xi1>, vector<1024x128xf32>
    %get3A_207 = arith.constant 0 : index
    %get3A_208 = arith.constant 1536 : index
    %get3A_209 = vector.load %arg6[%get3A_207, %get3A_208] : memref<8x8192xf32, #tpu.memory_space<vmem>>, vector<8x128xf32>
    %reshape3A_210 = vector.shape_cast %get3A_209 : vector<8x128xf32> to vector<1x8x128xf32>
    %broadcast_in_dim3A_211 = vector.shape_cast %reshape3A_210 : vector<1x8x128xf32> to vector<1x8x128xf32>
    %broadcast_in_dim3A_212 = vector.broadcast %broadcast_in_dim3A_211 : vector<1x8x128xf32> to vector<128x8x128xf32>
    %reshape3A_213 = vector.shape_cast %broadcast_in_dim3A_212 : vector<128x8x128xf32> to vector<1024x128xf32>
    %add3A_214 = arith.addf %get3A_19, %reshape3A_213 : vector<1024x128xf32>
    %slice3A_215 = vector.extract_strided_slice %dot_general3A_146 {offsets = [0, 512], sizes = [1024, 128], strides = [1, 1]} : vector<1024x1024xf32> to vector<1024x128xf32>
    %add3A_216 = arith.addf %add3A_214, %slice3A_215 : vector<1024x128xf32>
    %lt3A_217 = arith.cmpf olt, %add3A_216, %select_n3A_203 : vector<1024x128xf32>
    %select_n3A_218 = arith.select %lt3A_217, %add3A_216, %select_n3A_203 : vector<1024x128xi1>, vector<1024x128xf32>
    %jit3A_219 = arith.constant 1.200000e+01 : f32
    %broadcast_in_dim3A_220 = vector.broadcast %jit3A_219 : f32 to vector<1024x128xf32>
    %select_n3A_221 = arith.select %lt3A_217, %broadcast_in_dim3A_220, %select_n3A_206 : vector<1024x128xi1>, vector<1024x128xf32>
    %get3A_222 = arith.constant 0 : index
    %get3A_223 = arith.constant 1664 : index
    %get3A_224 = vector.load %arg6[%get3A_222, %get3A_223] : memref<8x8192xf32, #tpu.memory_space<vmem>>, vector<8x128xf32>
    %reshape3A_225 = vector.shape_cast %get3A_224 : vector<8x128xf32> to vector<1x8x128xf32>
    %broadcast_in_dim3A_226 = vector.shape_cast %reshape3A_225 : vector<1x8x128xf32> to vector<1x8x128xf32>
    %broadcast_in_dim3A_227 = vector.broadcast %broadcast_in_dim3A_226 : vector<1x8x128xf32> to vector<128x8x128xf32>
    %reshape3A_228 = vector.shape_cast %broadcast_in_dim3A_227 : vector<128x8x128xf32> to vector<1024x128xf32>
    %add3A_229 = arith.addf %get3A_19, %reshape3A_228 : vector<1024x128xf32>
    %slice3A_230 = vector.extract_strided_slice %dot_general3A_146 {offsets = [0, 640], sizes = [1024, 128], strides = [1, 1]} : vector<1024x1024xf32> to vector<1024x128xf32>
    %add3A_231 = arith.addf %add3A_229, %slice3A_230 : vector<1024x128xf32>
    %lt3A_232 = arith.cmpf olt, %add3A_231, %select_n3A_218 : vector<1024x128xf32>
    %select_n3A_233 = arith.select %lt3A_232, %add3A_231, %select_n3A_218 : vector<1024x128xi1>, vector<1024x128xf32>
    %jit3A_234 = arith.constant 1.300000e+01 : f32
    %broadcast_in_dim3A_235 = vector.broadcast %jit3A_234 : f32 to vector<1024x128xf32>
    %select_n3A_236 = arith.select %lt3A_232, %broadcast_in_dim3A_235, %select_n3A_221 : vector<1024x128xi1>, vector<1024x128xf32>
    %get3A_237 = arith.constant 0 : index
    %get3A_238 = arith.constant 1792 : index
    %get3A_239 = vector.load %arg6[%get3A_237, %get3A_238] : memref<8x8192xf32, #tpu.memory_space<vmem>>, vector<8x128xf32>
    %reshape3A_240 = vector.shape_cast %get3A_239 : vector<8x128xf32> to vector<1x8x128xf32>
    %broadcast_in_dim3A_241 = vector.shape_cast %reshape3A_240 : vector<1x8x128xf32> to vector<1x8x128xf32>
    %broadcast_in_dim3A_242 = vector.broadcast %broadcast_in_dim3A_241 : vector<1x8x128xf32> to vector<128x8x128xf32>
    %reshape3A_243 = vector.shape_cast %broadcast_in_dim3A_242 : vector<128x8x128xf32> to vector<1024x128xf32>
    %add3A_244 = arith.addf %get3A_19, %reshape3A_243 : vector<1024x128xf32>
    %slice3A_245 = vector.extract_strided_slice %dot_general3A_146 {offsets = [0, 768], sizes = [1024, 128], strides = [1, 1]} : vector<1024x1024xf32> to vector<1024x128xf32>
    %add3A_246 = arith.addf %add3A_244, %slice3A_245 : vector<1024x128xf32>
    %lt3A_247 = arith.cmpf olt, %add3A_246, %select_n3A_233 : vector<1024x128xf32>
    %select_n3A_248 = arith.select %lt3A_247, %add3A_246, %select_n3A_233 : vector<1024x128xi1>, vector<1024x128xf32>
    %jit3A_249 = arith.constant 1.400000e+01 : f32
    %broadcast_in_dim3A_250 = vector.broadcast %jit3A_249 : f32 to vector<1024x128xf32>
    %select_n3A_251 = arith.select %lt3A_247, %broadcast_in_dim3A_250, %select_n3A_236 : vector<1024x128xi1>, vector<1024x128xf32>
    %get3A_252 = arith.constant 0 : index
    %get3A_253 = arith.constant 1920 : index
    %get3A_254 = vector.load %arg6[%get3A_252, %get3A_253] : memref<8x8192xf32, #tpu.memory_space<vmem>>, vector<8x128xf32>
    %reshape3A_255 = vector.shape_cast %get3A_254 : vector<8x128xf32> to vector<1x8x128xf32>
    %broadcast_in_dim3A_256 = vector.shape_cast %reshape3A_255 : vector<1x8x128xf32> to vector<1x8x128xf32>
    %broadcast_in_dim3A_257 = vector.broadcast %broadcast_in_dim3A_256 : vector<1x8x128xf32> to vector<128x8x128xf32>
    %reshape3A_258 = vector.shape_cast %broadcast_in_dim3A_257 : vector<128x8x128xf32> to vector<1024x128xf32>
    %add3A_259 = arith.addf %get3A_19, %reshape3A_258 : vector<1024x128xf32>
    %slice3A_260 = vector.extract_strided_slice %dot_general3A_146 {offsets = [0, 896], sizes = [1024, 128], strides = [1, 1]} : vector<1024x1024xf32> to vector<1024x128xf32>
    %add3A_261 = arith.addf %add3A_259, %slice3A_260 : vector<1024x128xf32>
    %lt3A_262 = arith.cmpf olt, %add3A_261, %select_n3A_248 : vector<1024x128xf32>
    %select_n3A_263 = arith.select %lt3A_262, %add3A_261, %select_n3A_248 : vector<1024x128xi1>, vector<1024x128xf32>
    %jit3A_264 = arith.constant 1.500000e+01 : f32
    %broadcast_in_dim3A_265 = vector.broadcast %jit3A_264 : f32 to vector<1024x128xf32>
    %select_n3A_266 = arith.select %lt3A_262, %broadcast_in_dim3A_265, %select_n3A_251 : vector<1024x128xi1>, vector<1024x128xf32>
    %get3A_267 = arith.constant 2048 : index
    %get3A_268 = arith.constant 0 : index
    %get3A_269 = vector.load %arg2[%get3A_267, %get3A_268] : memref<8192x256xf32, #tpu.memory_space<vmem>>, vector<1024x256xf32>
    %dot_general3A_270 = arith.constant dense<0.000000e+00> : vector<1024x1024xf32>
    %dot_general3A_271 = tpu.matmul %mul3A_7, %get3A_269, %dot_general3A_270 {dimension_numbers = #tpu.dot_dimension_numbers<[1], [1], [0], [0], [0, 0, 1, 0], [], []>, transpose_lhs_hint = false} : vector<1024x256xf32>, vector<1024x256xf32>, vector<1024x1024xf32> -> vector<1024x1024xf32>
    %get3A_272 = arith.constant 0 : index
    %get3A_273 = arith.constant 2048 : index
    %get3A_274 = vector.load %arg6[%get3A_272, %get3A_273] : memref<8x8192xf32, #tpu.memory_space<vmem>>, vector<8x128xf32>
    %reshape3A_275 = vector.shape_cast %get3A_274 : vector<8x128xf32> to vector<1x8x128xf32>
    %broadcast_in_dim3A_276 = vector.shape_cast %reshape3A_275 : vector<1x8x128xf32> to vector<1x8x128xf32>
    %broadcast_in_dim3A_277 = vector.broadcast %broadcast_in_dim3A_276 : vector<1x8x128xf32> to vector<128x8x128xf32>
    %reshape3A_278 = vector.shape_cast %broadcast_in_dim3A_277 : vector<128x8x128xf32> to vector<1024x128xf32>
    %add3A_279 = arith.addf %get3A_19, %reshape3A_278 : vector<1024x128xf32>
    %slice3A_280 = vector.extract_strided_slice %dot_general3A_271 {offsets = [0, 0], sizes = [1024, 128], strides = [1, 1]} : vector<1024x1024xf32> to vector<1024x128xf32>
    %add3A_281 = arith.addf %add3A_279, %slice3A_280 : vector<1024x128xf32>
    %lt3A_282 = arith.cmpf olt, %add3A_281, %select_n3A_263 : vector<1024x128xf32>
    %select_n3A_283 = arith.select %lt3A_282, %add3A_281, %select_n3A_263 : vector<1024x128xi1>, vector<1024x128xf32>
    %jit3A_284 = arith.constant 1.600000e+01 : f32
    %broadcast_in_dim3A_285 = vector.broadcast %jit3A_284 : f32 to vector<1024x128xf32>
    %select_n3A_286 = arith.select %lt3A_282, %broadcast_in_dim3A_285, %select_n3A_266 : vector<1024x128xi1>, vector<1024x128xf32>
    %get3A_287 = arith.constant 0 : index
    %get3A_288 = arith.constant 2176 : index
    %get3A_289 = vector.load %arg6[%get3A_287, %get3A_288] : memref<8x8192xf32, #tpu.memory_space<vmem>>, vector<8x128xf32>
    %reshape3A_290 = vector.shape_cast %get3A_289 : vector<8x128xf32> to vector<1x8x128xf32>
    %broadcast_in_dim3A_291 = vector.shape_cast %reshape3A_290 : vector<1x8x128xf32> to vector<1x8x128xf32>
    %broadcast_in_dim3A_292 = vector.broadcast %broadcast_in_dim3A_291 : vector<1x8x128xf32> to vector<128x8x128xf32>
    %reshape3A_293 = vector.shape_cast %broadcast_in_dim3A_292 : vector<128x8x128xf32> to vector<1024x128xf32>
    %add3A_294 = arith.addf %get3A_19, %reshape3A_293 : vector<1024x128xf32>
    %slice3A_295 = vector.extract_strided_slice %dot_general3A_271 {offsets = [0, 128], sizes = [1024, 128], strides = [1, 1]} : vector<1024x1024xf32> to vector<1024x128xf32>
    %add3A_296 = arith.addf %add3A_294, %slice3A_295 : vector<1024x128xf32>
    %lt3A_297 = arith.cmpf olt, %add3A_296, %select_n3A_283 : vector<1024x128xf32>
    %select_n3A_298 = arith.select %lt3A_297, %add3A_296, %select_n3A_283 : vector<1024x128xi1>, vector<1024x128xf32>
    %jit3A_299 = arith.constant 1.700000e+01 : f32
    %broadcast_in_dim3A_300 = vector.broadcast %jit3A_299 : f32 to vector<1024x128xf32>
    %select_n3A_301 = arith.select %lt3A_297, %broadcast_in_dim3A_300, %select_n3A_286 : vector<1024x128xi1>, vector<1024x128xf32>
    %get3A_302 = arith.constant 0 : index
    %get3A_303 = arith.constant 2304 : index
    %get3A_304 = vector.load %arg6[%get3A_302, %get3A_303] : memref<8x8192xf32, #tpu.memory_space<vmem>>, vector<8x128xf32>
    %reshape3A_305 = vector.shape_cast %get3A_304 : vector<8x128xf32> to vector<1x8x128xf32>
    %broadcast_in_dim3A_306 = vector.shape_cast %reshape3A_305 : vector<1x8x128xf32> to vector<1x8x128xf32>
    %broadcast_in_dim3A_307 = vector.broadcast %broadcast_in_dim3A_306 : vector<1x8x128xf32> to vector<128x8x128xf32>
    %reshape3A_308 = vector.shape_cast %broadcast_in_dim3A_307 : vector<128x8x128xf32> to vector<1024x128xf32>
    %add3A_309 = arith.addf %get3A_19, %reshape3A_308 : vector<1024x128xf32>
    %slice3A_310 = vector.extract_strided_slice %dot_general3A_271 {offsets = [0, 256], sizes = [1024, 128], strides = [1, 1]} : vector<1024x1024xf32> to vector<1024x128xf32>
    %add3A_311 = arith.addf %add3A_309, %slice3A_310 : vector<1024x128xf32>
    %lt3A_312 = arith.cmpf olt, %add3A_311, %select_n3A_298 : vector<1024x128xf32>
    %select_n3A_313 = arith.select %lt3A_312, %add3A_311, %select_n3A_298 : vector<1024x128xi1>, vector<1024x128xf32>
    %jit3A_314 = arith.constant 1.800000e+01 : f32
    %broadcast_in_dim3A_315 = vector.broadcast %jit3A_314 : f32 to vector<1024x128xf32>
    %select_n3A_316 = arith.select %lt3A_312, %broadcast_in_dim3A_315, %select_n3A_301 : vector<1024x128xi1>, vector<1024x128xf32>
    %get3A_317 = arith.constant 0 : index
    %get3A_318 = arith.constant 2432 : index
    %get3A_319 = vector.load %arg6[%get3A_317, %get3A_318] : memref<8x8192xf32, #tpu.memory_space<vmem>>, vector<8x128xf32>
    %reshape3A_320 = vector.shape_cast %get3A_319 : vector<8x128xf32> to vector<1x8x128xf32>
    %broadcast_in_dim3A_321 = vector.shape_cast %reshape3A_320 : vector<1x8x128xf32> to vector<1x8x128xf32>
    %broadcast_in_dim3A_322 = vector.broadcast %broadcast_in_dim3A_321 : vector<1x8x128xf32> to vector<128x8x128xf32>
    %reshape3A_323 = vector.shape_cast %broadcast_in_dim3A_322 : vector<128x8x128xf32> to vector<1024x128xf32>
    %add3A_324 = arith.addf %get3A_19, %reshape3A_323 : vector<1024x128xf32>
    %slice3A_325 = vector.extract_strided_slice %dot_general3A_271 {offsets = [0, 384], sizes = [1024, 128], strides = [1, 1]} : vector<1024x1024xf32> to vector<1024x128xf32>
    %add3A_326 = arith.addf %add3A_324, %slice3A_325 : vector<1024x128xf32>
    %lt3A_327 = arith.cmpf olt, %add3A_326, %select_n3A_313 : vector<1024x128xf32>
    %select_n3A_328 = arith.select %lt3A_327, %add3A_326, %select_n3A_313 : vector<1024x128xi1>, vector<1024x128xf32>
    %jit3A_329 = arith.constant 1.900000e+01 : f32
    %broadcast_in_dim3A_330 = vector.broadcast %jit3A_329 : f32 to vector<1024x128xf32>
    %select_n3A_331 = arith.select %lt3A_327, %broadcast_in_dim3A_330, %select_n3A_316 : vector<1024x128xi1>, vector<1024x128xf32>
    %get3A_332 = arith.constant 0 : index
    %get3A_333 = arith.constant 2560 : index
    %get3A_334 = vector.load %arg6[%get3A_332, %get3A_333] : memref<8x8192xf32, #tpu.memory_space<vmem>>, vector<8x128xf32>
    %reshape3A_335 = vector.shape_cast %get3A_334 : vector<8x128xf32> to vector<1x8x128xf32>
    %broadcast_in_dim3A_336 = vector.shape_cast %reshape3A_335 : vector<1x8x128xf32> to vector<1x8x128xf32>
    %broadcast_in_dim3A_337 = vector.broadcast %broadcast_in_dim3A_336 : vector<1x8x128xf32> to vector<128x8x128xf32>
    %reshape3A_338 = vector.shape_cast %broadcast_in_dim3A_337 : vector<128x8x128xf32> to vector<1024x128xf32>
    %add3A_339 = arith.addf %get3A_19, %reshape3A_338 : vector<1024x128xf32>
    %slice3A_340 = vector.extract_strided_slice %dot_general3A_271 {offsets = [0, 512], sizes = [1024, 128], strides = [1, 1]} : vector<1024x1024xf32> to vector<1024x128xf32>
    %add3A_341 = arith.addf %add3A_339, %slice3A_340 : vector<1024x128xf32>
    %lt3A_342 = arith.cmpf olt, %add3A_341, %select_n3A_328 : vector<1024x128xf32>
    %select_n3A_343 = arith.select %lt3A_342, %add3A_341, %select_n3A_328 : vector<1024x128xi1>, vector<1024x128xf32>
    %jit3A_344 = arith.constant 2.000000e+01 : f32
    %broadcast_in_dim3A_345 = vector.broadcast %jit3A_344 : f32 to vector<1024x128xf32>
    %select_n3A_346 = arith.select %lt3A_342, %broadcast_in_dim3A_345, %select_n3A_331 : vector<1024x128xi1>, vector<1024x128xf32>
    %get3A_347 = arith.constant 0 : index
    %get3A_348 = arith.constant 2688 : index
    %get3A_349 = vector.load %arg6[%get3A_347, %get3A_348] : memref<8x8192xf32, #tpu.memory_space<vmem>>, vector<8x128xf32>
    %reshape3A_350 = vector.shape_cast %get3A_349 : vector<8x128xf32> to vector<1x8x128xf32>
    %broadcast_in_dim3A_351 = vector.shape_cast %reshape3A_350 : vector<1x8x128xf32> to vector<1x8x128xf32>
    %broadcast_in_dim3A_352 = vector.broadcast %broadcast_in_dim3A_351 : vector<1x8x128xf32> to vector<128x8x128xf32>
    %reshape3A_353 = vector.shape_cast %broadcast_in_dim3A_352 : vector<128x8x128xf32> to vector<1024x128xf32>
    %add3A_354 = arith.addf %get3A_19, %reshape3A_353 : vector<1024x128xf32>
    %slice3A_355 = vector.extract_strided_slice %dot_general3A_271 {offsets = [0, 640], sizes = [1024, 128], strides = [1, 1]} : vector<1024x1024xf32> to vector<1024x128xf32>
    %add3A_356 = arith.addf %add3A_354, %slice3A_355 : vector<1024x128xf32>
    %lt3A_357 = arith.cmpf olt, %add3A_356, %select_n3A_343 : vector<1024x128xf32>
    %select_n3A_358 = arith.select %lt3A_357, %add3A_356, %select_n3A_343 : vector<1024x128xi1>, vector<1024x128xf32>
    %jit3A_359 = arith.constant 2.100000e+01 : f32
    %broadcast_in_dim3A_360 = vector.broadcast %jit3A_359 : f32 to vector<1024x128xf32>
    %select_n3A_361 = arith.select %lt3A_357, %broadcast_in_dim3A_360, %select_n3A_346 : vector<1024x128xi1>, vector<1024x128xf32>
    %get3A_362 = arith.constant 0 : index
    %get3A_363 = arith.constant 2816 : index
    %get3A_364 = vector.load %arg6[%get3A_362, %get3A_363] : memref<8x8192xf32, #tpu.memory_space<vmem>>, vector<8x128xf32>
    %reshape3A_365 = vector.shape_cast %get3A_364 : vector<8x128xf32> to vector<1x8x128xf32>
    %broadcast_in_dim3A_366 = vector.shape_cast %reshape3A_365 : vector<1x8x128xf32> to vector<1x8x128xf32>
    %broadcast_in_dim3A_367 = vector.broadcast %broadcast_in_dim3A_366 : vector<1x8x128xf32> to vector<128x8x128xf32>
    %reshape3A_368 = vector.shape_cast %broadcast_in_dim3A_367 : vector<128x8x128xf32> to vector<1024x128xf32>
    %add3A_369 = arith.addf %get3A_19, %reshape3A_368 : vector<1024x128xf32>
    %slice3A_370 = vector.extract_strided_slice %dot_general3A_271 {offsets = [0, 768], sizes = [1024, 128], strides = [1, 1]} : vector<1024x1024xf32> to vector<1024x128xf32>
    %add3A_371 = arith.addf %add3A_369, %slice3A_370 : vector<1024x128xf32>
    %lt3A_372 = arith.cmpf olt, %add3A_371, %select_n3A_358 : vector<1024x128xf32>
    %select_n3A_373 = arith.select %lt3A_372, %add3A_371, %select_n3A_358 : vector<1024x128xi1>, vector<1024x128xf32>
    %jit3A_374 = arith.constant 2.200000e+01 : f32
    %broadcast_in_dim3A_375 = vector.broadcast %jit3A_374 : f32 to vector<1024x128xf32>
    %select_n3A_376 = arith.select %lt3A_372, %broadcast_in_dim3A_375, %select_n3A_361 : vector<1024x128xi1>, vector<1024x128xf32>
    %get3A_377 = arith.constant 0 : index
    %get3A_378 = arith.constant 2944 : index
    %get3A_379 = vector.load %arg6[%get3A_377, %get3A_378] : memref<8x8192xf32, #tpu.memory_space<vmem>>, vector<8x128xf32>
    %reshape3A_380 = vector.shape_cast %get3A_379 : vector<8x128xf32> to vector<1x8x128xf32>
    %broadcast_in_dim3A_381 = vector.shape_cast %reshape3A_380 : vector<1x8x128xf32> to vector<1x8x128xf32>
    %broadcast_in_dim3A_382 = vector.broadcast %broadcast_in_dim3A_381 : vector<1x8x128xf32> to vector<128x8x128xf32>
    %reshape3A_383 = vector.shape_cast %broadcast_in_dim3A_382 : vector<128x8x128xf32> to vector<1024x128xf32>
    %add3A_384 = arith.addf %get3A_19, %reshape3A_383 : vector<1024x128xf32>
    %slice3A_385 = vector.extract_strided_slice %dot_general3A_271 {offsets = [0, 896], sizes = [1024, 128], strides = [1, 1]} : vector<1024x1024xf32> to vector<1024x128xf32>
    %add3A_386 = arith.addf %add3A_384, %slice3A_385 : vector<1024x128xf32>
    %lt3A_387 = arith.cmpf olt, %add3A_386, %select_n3A_373 : vector<1024x128xf32>
    %select_n3A_388 = arith.select %lt3A_387, %add3A_386, %select_n3A_373 : vector<1024x128xi1>, vector<1024x128xf32>
    %jit3A_389 = arith.constant 2.300000e+01 : f32
    %broadcast_in_dim3A_390 = vector.broadcast %jit3A_389 : f32 to vector<1024x128xf32>
    %select_n3A_391 = arith.select %lt3A_387, %broadcast_in_dim3A_390, %select_n3A_376 : vector<1024x128xi1>, vector<1024x128xf32>
    %get3A_392 = arith.constant 3072 : index
    %get3A_393 = arith.constant 0 : index
    %get3A_394 = vector.load %arg2[%get3A_392, %get3A_393] : memref<8192x256xf32, #tpu.memory_space<vmem>>, vector<1024x256xf32>
    %dot_general3A_395 = arith.constant dense<0.000000e+00> : vector<1024x1024xf32>
    %dot_general3A_396 = tpu.matmul %mul3A_7, %get3A_394, %dot_general3A_395 {dimension_numbers = #tpu.dot_dimension_numbers<[1], [1], [0], [0], [0, 0, 1, 0], [], []>, transpose_lhs_hint = false} : vector<1024x256xf32>, vector<1024x256xf32>, vector<1024x1024xf32> -> vector<1024x1024xf32>
    %get3A_397 = arith.constant 0 : index
    %get3A_398 = arith.constant 3072 : index
    %get3A_399 = vector.load %arg6[%get3A_397, %get3A_398] : memref<8x8192xf32, #tpu.memory_space<vmem>>, vector<8x128xf32>
    %reshape3A_400 = vector.shape_cast %get3A_399 : vector<8x128xf32> to vector<1x8x128xf32>
    %broadcast_in_dim3A_401 = vector.shape_cast %reshape3A_400 : vector<1x8x128xf32> to vector<1x8x128xf32>
    %broadcast_in_dim3A_402 = vector.broadcast %broadcast_in_dim3A_401 : vector<1x8x128xf32> to vector<128x8x128xf32>
    %reshape3A_403 = vector.shape_cast %broadcast_in_dim3A_402 : vector<128x8x128xf32> to vector<1024x128xf32>
    %add3A_404 = arith.addf %get3A_19, %reshape3A_403 : vector<1024x128xf32>
    %slice3A_405 = vector.extract_strided_slice %dot_general3A_396 {offsets = [0, 0], sizes = [1024, 128], strides = [1, 1]} : vector<1024x1024xf32> to vector<1024x128xf32>
    %add3A_406 = arith.addf %add3A_404, %slice3A_405 : vector<1024x128xf32>
    %lt3A_407 = arith.cmpf olt, %add3A_406, %select_n3A_388 : vector<1024x128xf32>
    %select_n3A_408 = arith.select %lt3A_407, %add3A_406, %select_n3A_388 : vector<1024x128xi1>, vector<1024x128xf32>
    %jit3A_409 = arith.constant 2.400000e+01 : f32
    %broadcast_in_dim3A_410 = vector.broadcast %jit3A_409 : f32 to vector<1024x128xf32>
    %select_n3A_411 = arith.select %lt3A_407, %broadcast_in_dim3A_410, %select_n3A_391 : vector<1024x128xi1>, vector<1024x128xf32>
    %get3A_412 = arith.constant 0 : index
    %get3A_413 = arith.constant 3200 : index
    %get3A_414 = vector.load %arg6[%get3A_412, %get3A_413] : memref<8x8192xf32, #tpu.memory_space<vmem>>, vector<8x128xf32>
    %reshape3A_415 = vector.shape_cast %get3A_414 : vector<8x128xf32> to vector<1x8x128xf32>
    %broadcast_in_dim3A_416 = vector.shape_cast %reshape3A_415 : vector<1x8x128xf32> to vector<1x8x128xf32>
    %broadcast_in_dim3A_417 = vector.broadcast %broadcast_in_dim3A_416 : vector<1x8x128xf32> to vector<128x8x128xf32>
    %reshape3A_418 = vector.shape_cast %broadcast_in_dim3A_417 : vector<128x8x128xf32> to vector<1024x128xf32>
    %add3A_419 = arith.addf %get3A_19, %reshape3A_418 : vector<1024x128xf32>
    %slice3A_420 = vector.extract_strided_slice %dot_general3A_396 {offsets = [0, 128], sizes = [1024, 128], strides = [1, 1]} : vector<1024x1024xf32> to vector<1024x128xf32>
    %add3A_421 = arith.addf %add3A_419, %slice3A_420 : vector<1024x128xf32>
    %lt3A_422 = arith.cmpf olt, %add3A_421, %select_n3A_408 : vector<1024x128xf32>
    %select_n3A_423 = arith.select %lt3A_422, %add3A_421, %select_n3A_408 : vector<1024x128xi1>, vector<1024x128xf32>
    %jit3A_424 = arith.constant 2.500000e+01 : f32
    %broadcast_in_dim3A_425 = vector.broadcast %jit3A_424 : f32 to vector<1024x128xf32>
    %select_n3A_426 = arith.select %lt3A_422, %broadcast_in_dim3A_425, %select_n3A_411 : vector<1024x128xi1>, vector<1024x128xf32>
    %get3A_427 = arith.constant 0 : index
    %get3A_428 = arith.constant 3328 : index
    %get3A_429 = vector.load %arg6[%get3A_427, %get3A_428] : memref<8x8192xf32, #tpu.memory_space<vmem>>, vector<8x128xf32>
    %reshape3A_430 = vector.shape_cast %get3A_429 : vector<8x128xf32> to vector<1x8x128xf32>
    %broadcast_in_dim3A_431 = vector.shape_cast %reshape3A_430 : vector<1x8x128xf32> to vector<1x8x128xf32>
    %broadcast_in_dim3A_432 = vector.broadcast %broadcast_in_dim3A_431 : vector<1x8x128xf32> to vector<128x8x128xf32>
    %reshape3A_433 = vector.shape_cast %broadcast_in_dim3A_432 : vector<128x8x128xf32> to vector<1024x128xf32>
    %add3A_434 = arith.addf %get3A_19, %reshape3A_433 : vector<1024x128xf32>
    %slice3A_435 = vector.extract_strided_slice %dot_general3A_396 {offsets = [0, 256], sizes = [1024, 128], strides = [1, 1]} : vector<1024x1024xf32> to vector<1024x128xf32>
    %add3A_436 = arith.addf %add3A_434, %slice3A_435 : vector<1024x128xf32>
    %lt3A_437 = arith.cmpf olt, %add3A_436, %select_n3A_423 : vector<1024x128xf32>
    %select_n3A_438 = arith.select %lt3A_437, %add3A_436, %select_n3A_423 : vector<1024x128xi1>, vector<1024x128xf32>
    %jit3A_439 = arith.constant 2.600000e+01 : f32
    %broadcast_in_dim3A_440 = vector.broadcast %jit3A_439 : f32 to vector<1024x128xf32>
    %select_n3A_441 = arith.select %lt3A_437, %broadcast_in_dim3A_440, %select_n3A_426 : vector<1024x128xi1>, vector<1024x128xf32>
    %get3A_442 = arith.constant 0 : index
    %get3A_443 = arith.constant 3456 : index
    %get3A_444 = vector.load %arg6[%get3A_442, %get3A_443] : memref<8x8192xf32, #tpu.memory_space<vmem>>, vector<8x128xf32>
    %reshape3A_445 = vector.shape_cast %get3A_444 : vector<8x128xf32> to vector<1x8x128xf32>
    %broadcast_in_dim3A_446 = vector.shape_cast %reshape3A_445 : vector<1x8x128xf32> to vector<1x8x128xf32>
    %broadcast_in_dim3A_447 = vector.broadcast %broadcast_in_dim3A_446 : vector<1x8x128xf32> to vector<128x8x128xf32>
    %reshape3A_448 = vector.shape_cast %broadcast_in_dim3A_447 : vector<128x8x128xf32> to vector<1024x128xf32>
    %add3A_449 = arith.addf %get3A_19, %reshape3A_448 : vector<1024x128xf32>
    %slice3A_450 = vector.extract_strided_slice %dot_general3A_396 {offsets = [0, 384], sizes = [1024, 128], strides = [1, 1]} : vector<1024x1024xf32> to vector<1024x128xf32>
    %add3A_451 = arith.addf %add3A_449, %slice3A_450 : vector<1024x128xf32>
    %lt3A_452 = arith.cmpf olt, %add3A_451, %select_n3A_438 : vector<1024x128xf32>
    %select_n3A_453 = arith.select %lt3A_452, %add3A_451, %select_n3A_438 : vector<1024x128xi1>, vector<1024x128xf32>
    %jit3A_454 = arith.constant 2.700000e+01 : f32
    %broadcast_in_dim3A_455 = vector.broadcast %jit3A_454 : f32 to vector<1024x128xf32>
    %select_n3A_456 = arith.select %lt3A_452, %broadcast_in_dim3A_455, %select_n3A_441 : vector<1024x128xi1>, vector<1024x128xf32>
    %get3A_457 = arith.constant 0 : index
    %get3A_458 = arith.constant 3584 : index
    %get3A_459 = vector.load %arg6[%get3A_457, %get3A_458] : memref<8x8192xf32, #tpu.memory_space<vmem>>, vector<8x128xf32>
    %reshape3A_460 = vector.shape_cast %get3A_459 : vector<8x128xf32> to vector<1x8x128xf32>
    %broadcast_in_dim3A_461 = vector.shape_cast %reshape3A_460 : vector<1x8x128xf32> to vector<1x8x128xf32>
    %broadcast_in_dim3A_462 = vector.broadcast %broadcast_in_dim3A_461 : vector<1x8x128xf32> to vector<128x8x128xf32>
    %reshape3A_463 = vector.shape_cast %broadcast_in_dim3A_462 : vector<128x8x128xf32> to vector<1024x128xf32>
    %add3A_464 = arith.addf %get3A_19, %reshape3A_463 : vector<1024x128xf32>
    %slice3A_465 = vector.extract_strided_slice %dot_general3A_396 {offsets = [0, 512], sizes = [1024, 128], strides = [1, 1]} : vector<1024x1024xf32> to vector<1024x128xf32>
    %add3A_466 = arith.addf %add3A_464, %slice3A_465 : vector<1024x128xf32>
    %lt3A_467 = arith.cmpf olt, %add3A_466, %select_n3A_453 : vector<1024x128xf32>
    %select_n3A_468 = arith.select %lt3A_467, %add3A_466, %select_n3A_453 : vector<1024x128xi1>, vector<1024x128xf32>
    %jit3A_469 = arith.constant 2.800000e+01 : f32
    %broadcast_in_dim3A_470 = vector.broadcast %jit3A_469 : f32 to vector<1024x128xf32>
    %select_n3A_471 = arith.select %lt3A_467, %broadcast_in_dim3A_470, %select_n3A_456 : vector<1024x128xi1>, vector<1024x128xf32>
    %get3A_472 = arith.constant 0 : index
    %get3A_473 = arith.constant 3712 : index
    %get3A_474 = vector.load %arg6[%get3A_472, %get3A_473] : memref<8x8192xf32, #tpu.memory_space<vmem>>, vector<8x128xf32>
    %reshape3A_475 = vector.shape_cast %get3A_474 : vector<8x128xf32> to vector<1x8x128xf32>
    %broadcast_in_dim3A_476 = vector.shape_cast %reshape3A_475 : vector<1x8x128xf32> to vector<1x8x128xf32>
    %broadcast_in_dim3A_477 = vector.broadcast %broadcast_in_dim3A_476 : vector<1x8x128xf32> to vector<128x8x128xf32>
    %reshape3A_478 = vector.shape_cast %broadcast_in_dim3A_477 : vector<128x8x128xf32> to vector<1024x128xf32>
    %add3A_479 = arith.addf %get3A_19, %reshape3A_478 : vector<1024x128xf32>
    %slice3A_480 = vector.extract_strided_slice %dot_general3A_396 {offsets = [0, 640], sizes = [1024, 128], strides = [1, 1]} : vector<1024x1024xf32> to vector<1024x128xf32>
    %add3A_481 = arith.addf %add3A_479, %slice3A_480 : vector<1024x128xf32>
    %lt3A_482 = arith.cmpf olt, %add3A_481, %select_n3A_468 : vector<1024x128xf32>
    %select_n3A_483 = arith.select %lt3A_482, %add3A_481, %select_n3A_468 : vector<1024x128xi1>, vector<1024x128xf32>
    %jit3A_484 = arith.constant 2.900000e+01 : f32
    %broadcast_in_dim3A_485 = vector.broadcast %jit3A_484 : f32 to vector<1024x128xf32>
    %select_n3A_486 = arith.select %lt3A_482, %broadcast_in_dim3A_485, %select_n3A_471 : vector<1024x128xi1>, vector<1024x128xf32>
    %get3A_487 = arith.constant 0 : index
    %get3A_488 = arith.constant 3840 : index
    %get3A_489 = vector.load %arg6[%get3A_487, %get3A_488] : memref<8x8192xf32, #tpu.memory_space<vmem>>, vector<8x128xf32>
    %reshape3A_490 = vector.shape_cast %get3A_489 : vector<8x128xf32> to vector<1x8x128xf32>
    %broadcast_in_dim3A_491 = vector.shape_cast %reshape3A_490 : vector<1x8x128xf32> to vector<1x8x128xf32>
    %broadcast_in_dim3A_492 = vector.broadcast %broadcast_in_dim3A_491 : vector<1x8x128xf32> to vector<128x8x128xf32>
    %reshape3A_493 = vector.shape_cast %broadcast_in_dim3A_492 : vector<128x8x128xf32> to vector<1024x128xf32>
    %add3A_494 = arith.addf %get3A_19, %reshape3A_493 : vector<1024x128xf32>
    %slice3A_495 = vector.extract_strided_slice %dot_general3A_396 {offsets = [0, 768], sizes = [1024, 128], strides = [1, 1]} : vector<1024x1024xf32> to vector<1024x128xf32>
    %add3A_496 = arith.addf %add3A_494, %slice3A_495 : vector<1024x128xf32>
    %lt3A_497 = arith.cmpf olt, %add3A_496, %select_n3A_483 : vector<1024x128xf32>
    %select_n3A_498 = arith.select %lt3A_497, %add3A_496, %select_n3A_483 : vector<1024x128xi1>, vector<1024x128xf32>
    %jit3A_499 = arith.constant 3.000000e+01 : f32
    %broadcast_in_dim3A_500 = vector.broadcast %jit3A_499 : f32 to vector<1024x128xf32>
    %select_n3A_501 = arith.select %lt3A_497, %broadcast_in_dim3A_500, %select_n3A_486 : vector<1024x128xi1>, vector<1024x128xf32>
    %get3A_502 = arith.constant 0 : index
    %get3A_503 = arith.constant 3968 : index
    %get3A_504 = vector.load %arg6[%get3A_502, %get3A_503] : memref<8x8192xf32, #tpu.memory_space<vmem>>, vector<8x128xf32>
    %reshape3A_505 = vector.shape_cast %get3A_504 : vector<8x128xf32> to vector<1x8x128xf32>
    %broadcast_in_dim3A_506 = vector.shape_cast %reshape3A_505 : vector<1x8x128xf32> to vector<1x8x128xf32>
    %broadcast_in_dim3A_507 = vector.broadcast %broadcast_in_dim3A_506 : vector<1x8x128xf32> to vector<128x8x128xf32>
    %reshape3A_508 = vector.shape_cast %broadcast_in_dim3A_507 : vector<128x8x128xf32> to vector<1024x128xf32>
    %add3A_509 = arith.addf %get3A_19, %reshape3A_508 : vector<1024x128xf32>
    %slice3A_510 = vector.extract_strided_slice %dot_general3A_396 {offsets = [0, 896], sizes = [1024, 128], strides = [1, 1]} : vector<1024x1024xf32> to vector<1024x128xf32>
    %add3A_511 = arith.addf %add3A_509, %slice3A_510 : vector<1024x128xf32>
    %lt3A_512 = arith.cmpf olt, %add3A_511, %select_n3A_498 : vector<1024x128xf32>
    %select_n3A_513 = arith.select %lt3A_512, %add3A_511, %select_n3A_498 : vector<1024x128xi1>, vector<1024x128xf32>
    %jit3A_514 = arith.constant 3.100000e+01 : f32
    %broadcast_in_dim3A_515 = vector.broadcast %jit3A_514 : f32 to vector<1024x128xf32>
    %select_n3A_516 = arith.select %lt3A_512, %broadcast_in_dim3A_515, %select_n3A_501 : vector<1024x128xi1>, vector<1024x128xf32>
    %get3A_517 = arith.constant 4096 : index
    %get3A_518 = arith.constant 0 : index
    %get3A_519 = vector.load %arg2[%get3A_517, %get3A_518] : memref<8192x256xf32, #tpu.memory_space<vmem>>, vector<1024x256xf32>
    %dot_general3A_520 = arith.constant dense<0.000000e+00> : vector<1024x1024xf32>
    %dot_general3A_521 = tpu.matmul %mul3A_7, %get3A_519, %dot_general3A_520 {dimension_numbers = #tpu.dot_dimension_numbers<[1], [1], [0], [0], [0, 0, 1, 0], [], []>, transpose_lhs_hint = false} : vector<1024x256xf32>, vector<1024x256xf32>, vector<1024x1024xf32> -> vector<1024x1024xf32>
    %get3A_522 = arith.constant 0 : index
    %get3A_523 = arith.constant 4096 : index
    %get3A_524 = vector.load %arg6[%get3A_522, %get3A_523] : memref<8x8192xf32, #tpu.memory_space<vmem>>, vector<8x128xf32>
    %reshape3A_525 = vector.shape_cast %get3A_524 : vector<8x128xf32> to vector<1x8x128xf32>
    %broadcast_in_dim3A_526 = vector.shape_cast %reshape3A_525 : vector<1x8x128xf32> to vector<1x8x128xf32>
    %broadcast_in_dim3A_527 = vector.broadcast %broadcast_in_dim3A_526 : vector<1x8x128xf32> to vector<128x8x128xf32>
    %reshape3A_528 = vector.shape_cast %broadcast_in_dim3A_527 : vector<128x8x128xf32> to vector<1024x128xf32>
    %add3A_529 = arith.addf %get3A_19, %reshape3A_528 : vector<1024x128xf32>
    %slice3A_530 = vector.extract_strided_slice %dot_general3A_521 {offsets = [0, 0], sizes = [1024, 128], strides = [1, 1]} : vector<1024x1024xf32> to vector<1024x128xf32>
    %add3A_531 = arith.addf %add3A_529, %slice3A_530 : vector<1024x128xf32>
    %lt3A_532 = arith.cmpf olt, %add3A_531, %select_n3A_513 : vector<1024x128xf32>
    %select_n3A_533 = arith.select %lt3A_532, %add3A_531, %select_n3A_513 : vector<1024x128xi1>, vector<1024x128xf32>
    %jit3A_534 = arith.constant 3.200000e+01 : f32
    %broadcast_in_dim3A_535 = vector.broadcast %jit3A_534 : f32 to vector<1024x128xf32>
    %select_n3A_536 = arith.select %lt3A_532, %broadcast_in_dim3A_535, %select_n3A_516 : vector<1024x128xi1>, vector<1024x128xf32>
    %get3A_537 = arith.constant 0 : index
    %get3A_538 = arith.constant 4224 : index
    %get3A_539 = vector.load %arg6[%get3A_537, %get3A_538] : memref<8x8192xf32, #tpu.memory_space<vmem>>, vector<8x128xf32>
    %reshape3A_540 = vector.shape_cast %get3A_539 : vector<8x128xf32> to vector<1x8x128xf32>
    %broadcast_in_dim3A_541 = vector.shape_cast %reshape3A_540 : vector<1x8x128xf32> to vector<1x8x128xf32>
    %broadcast_in_dim3A_542 = vector.broadcast %broadcast_in_dim3A_541 : vector<1x8x128xf32> to vector<128x8x128xf32>
    %reshape3A_543 = vector.shape_cast %broadcast_in_dim3A_542 : vector<128x8x128xf32> to vector<1024x128xf32>
    %add3A_544 = arith.addf %get3A_19, %reshape3A_543 : vector<1024x128xf32>
    %slice3A_545 = vector.extract_strided_slice %dot_general3A_521 {offsets = [0, 128], sizes = [1024, 128], strides = [1, 1]} : vector<1024x1024xf32> to vector<1024x128xf32>
    %add3A_546 = arith.addf %add3A_544, %slice3A_545 : vector<1024x128xf32>
    %lt3A_547 = arith.cmpf olt, %add3A_546, %select_n3A_533 : vector<1024x128xf32>
    %select_n3A_548 = arith.select %lt3A_547, %add3A_546, %select_n3A_533 : vector<1024x128xi1>, vector<1024x128xf32>
    %jit3A_549 = arith.constant 3.300000e+01 : f32
    %broadcast_in_dim3A_550 = vector.broadcast %jit3A_549 : f32 to vector<1024x128xf32>
    %select_n3A_551 = arith.select %lt3A_547, %broadcast_in_dim3A_550, %select_n3A_536 : vector<1024x128xi1>, vector<1024x128xf32>
    %get3A_552 = arith.constant 0 : index
    %get3A_553 = arith.constant 4352 : index
    %get3A_554 = vector.load %arg6[%get3A_552, %get3A_553] : memref<8x8192xf32, #tpu.memory_space<vmem>>, vector<8x128xf32>
    %reshape3A_555 = vector.shape_cast %get3A_554 : vector<8x128xf32> to vector<1x8x128xf32>
    %broadcast_in_dim3A_556 = vector.shape_cast %reshape3A_555 : vector<1x8x128xf32> to vector<1x8x128xf32>
    %broadcast_in_dim3A_557 = vector.broadcast %broadcast_in_dim3A_556 : vector<1x8x128xf32> to vector<128x8x128xf32>
    %reshape3A_558 = vector.shape_cast %broadcast_in_dim3A_557 : vector<128x8x128xf32> to vector<1024x128xf32>
    %add3A_559 = arith.addf %get3A_19, %reshape3A_558 : vector<1024x128xf32>
    %slice3A_560 = vector.extract_strided_slice %dot_general3A_521 {offsets = [0, 256], sizes = [1024, 128], strides = [1, 1]} : vector<1024x1024xf32> to vector<1024x128xf32>
    %add3A_561 = arith.addf %add3A_559, %slice3A_560 : vector<1024x128xf32>
    %lt3A_562 = arith.cmpf olt, %add3A_561, %select_n3A_548 : vector<1024x128xf32>
    %select_n3A_563 = arith.select %lt3A_562, %add3A_561, %select_n3A_548 : vector<1024x128xi1>, vector<1024x128xf32>
    %jit3A_564 = arith.constant 3.400000e+01 : f32
    %broadcast_in_dim3A_565 = vector.broadcast %jit3A_564 : f32 to vector<1024x128xf32>
    %select_n3A_566 = arith.select %lt3A_562, %broadcast_in_dim3A_565, %select_n3A_551 : vector<1024x128xi1>, vector<1024x128xf32>
    %get3A_567 = arith.constant 0 : index
    %get3A_568 = arith.constant 4480 : index
    %get3A_569 = vector.load %arg6[%get3A_567, %get3A_568] : memref<8x8192xf32, #tpu.memory_space<vmem>>, vector<8x128xf32>
    %reshape3A_570 = vector.shape_cast %get3A_569 : vector<8x128xf32> to vector<1x8x128xf32>
    %broadcast_in_dim3A_571 = vector.shape_cast %reshape3A_570 : vector<1x8x128xf32> to vector<1x8x128xf32>
    %broadcast_in_dim3A_572 = vector.broadcast %broadcast_in_dim3A_571 : vector<1x8x128xf32> to vector<128x8x128xf32>
    %reshape3A_573 = vector.shape_cast %broadcast_in_dim3A_572 : vector<128x8x128xf32> to vector<1024x128xf32>
    %add3A_574 = arith.addf %get3A_19, %reshape3A_573 : vector<1024x128xf32>
    %slice3A_575 = vector.extract_strided_slice %dot_general3A_521 {offsets = [0, 384], sizes = [1024, 128], strides = [1, 1]} : vector<1024x1024xf32> to vector<1024x128xf32>
    %add3A_576 = arith.addf %add3A_574, %slice3A_575 : vector<1024x128xf32>
    %lt3A_577 = arith.cmpf olt, %add3A_576, %select_n3A_563 : vector<1024x128xf32>
    %select_n3A_578 = arith.select %lt3A_577, %add3A_576, %select_n3A_563 : vector<1024x128xi1>, vector<1024x128xf32>
    %jit3A_579 = arith.constant 3.500000e+01 : f32
    %broadcast_in_dim3A_580 = vector.broadcast %jit3A_579 : f32 to vector<1024x128xf32>
    %select_n3A_581 = arith.select %lt3A_577, %broadcast_in_dim3A_580, %select_n3A_566 : vector<1024x128xi1>, vector<1024x128xf32>
    %get3A_582 = arith.constant 0 : index
    %get3A_583 = arith.constant 4608 : index
    %get3A_584 = vector.load %arg6[%get3A_582, %get3A_583] : memref<8x8192xf32, #tpu.memory_space<vmem>>, vector<8x128xf32>
    %reshape3A_585 = vector.shape_cast %get3A_584 : vector<8x128xf32> to vector<1x8x128xf32>
    %broadcast_in_dim3A_586 = vector.shape_cast %reshape3A_585 : vector<1x8x128xf32> to vector<1x8x128xf32>
    %broadcast_in_dim3A_587 = vector.broadcast %broadcast_in_dim3A_586 : vector<1x8x128xf32> to vector<128x8x128xf32>
    %reshape3A_588 = vector.shape_cast %broadcast_in_dim3A_587 : vector<128x8x128xf32> to vector<1024x128xf32>
    %add3A_589 = arith.addf %get3A_19, %reshape3A_588 : vector<1024x128xf32>
    %slice3A_590 = vector.extract_strided_slice %dot_general3A_521 {offsets = [0, 512], sizes = [1024, 128], strides = [1, 1]} : vector<1024x1024xf32> to vector<1024x128xf32>
    %add3A_591 = arith.addf %add3A_589, %slice3A_590 : vector<1024x128xf32>
    %lt3A_592 = arith.cmpf olt, %add3A_591, %select_n3A_578 : vector<1024x128xf32>
    %select_n3A_593 = arith.select %lt3A_592, %add3A_591, %select_n3A_578 : vector<1024x128xi1>, vector<1024x128xf32>
    %jit3A_594 = arith.constant 3.600000e+01 : f32
    %broadcast_in_dim3A_595 = vector.broadcast %jit3A_594 : f32 to vector<1024x128xf32>
    %select_n3A_596 = arith.select %lt3A_592, %broadcast_in_dim3A_595, %select_n3A_581 : vector<1024x128xi1>, vector<1024x128xf32>
    %get3A_597 = arith.constant 0 : index
    %get3A_598 = arith.constant 4736 : index
    %get3A_599 = vector.load %arg6[%get3A_597, %get3A_598] : memref<8x8192xf32, #tpu.memory_space<vmem>>, vector<8x128xf32>
    %reshape3A_600 = vector.shape_cast %get3A_599 : vector<8x128xf32> to vector<1x8x128xf32>
    %broadcast_in_dim3A_601 = vector.shape_cast %reshape3A_600 : vector<1x8x128xf32> to vector<1x8x128xf32>
    %broadcast_in_dim3A_602 = vector.broadcast %broadcast_in_dim3A_601 : vector<1x8x128xf32> to vector<128x8x128xf32>
    %reshape3A_603 = vector.shape_cast %broadcast_in_dim3A_602 : vector<128x8x128xf32> to vector<1024x128xf32>
    %add3A_604 = arith.addf %get3A_19, %reshape3A_603 : vector<1024x128xf32>
    %slice3A_605 = vector.extract_strided_slice %dot_general3A_521 {offsets = [0, 640], sizes = [1024, 128], strides = [1, 1]} : vector<1024x1024xf32> to vector<1024x128xf32>
    %add3A_606 = arith.addf %add3A_604, %slice3A_605 : vector<1024x128xf32>
    %lt3A_607 = arith.cmpf olt, %add3A_606, %select_n3A_593 : vector<1024x128xf32>
    %select_n3A_608 = arith.select %lt3A_607, %add3A_606, %select_n3A_593 : vector<1024x128xi1>, vector<1024x128xf32>
    %jit3A_609 = arith.constant 3.700000e+01 : f32
    %broadcast_in_dim3A_610 = vector.broadcast %jit3A_609 : f32 to vector<1024x128xf32>
    %select_n3A_611 = arith.select %lt3A_607, %broadcast_in_dim3A_610, %select_n3A_596 : vector<1024x128xi1>, vector<1024x128xf32>
    %get3A_612 = arith.constant 0 : index
    %get3A_613 = arith.constant 4864 : index
    %get3A_614 = vector.load %arg6[%get3A_612, %get3A_613] : memref<8x8192xf32, #tpu.memory_space<vmem>>, vector<8x128xf32>
    %reshape3A_615 = vector.shape_cast %get3A_614 : vector<8x128xf32> to vector<1x8x128xf32>
    %broadcast_in_dim3A_616 = vector.shape_cast %reshape3A_615 : vector<1x8x128xf32> to vector<1x8x128xf32>
    %broadcast_in_dim3A_617 = vector.broadcast %broadcast_in_dim3A_616 : vector<1x8x128xf32> to vector<128x8x128xf32>
    %reshape3A_618 = vector.shape_cast %broadcast_in_dim3A_617 : vector<128x8x128xf32> to vector<1024x128xf32>
    %add3A_619 = arith.addf %get3A_19, %reshape3A_618 : vector<1024x128xf32>
    %slice3A_620 = vector.extract_strided_slice %dot_general3A_521 {offsets = [0, 768], sizes = [1024, 128], strides = [1, 1]} : vector<1024x1024xf32> to vector<1024x128xf32>
    %add3A_621 = arith.addf %add3A_619, %slice3A_620 : vector<1024x128xf32>
    %lt3A_622 = arith.cmpf olt, %add3A_621, %select_n3A_608 : vector<1024x128xf32>
    %select_n3A_623 = arith.select %lt3A_622, %add3A_621, %select_n3A_608 : vector<1024x128xi1>, vector<1024x128xf32>
    %jit3A_624 = arith.constant 3.800000e+01 : f32
    %broadcast_in_dim3A_625 = vector.broadcast %jit3A_624 : f32 to vector<1024x128xf32>
    %select_n3A_626 = arith.select %lt3A_622, %broadcast_in_dim3A_625, %select_n3A_611 : vector<1024x128xi1>, vector<1024x128xf32>
    %get3A_627 = arith.constant 0 : index
    %get3A_628 = arith.constant 4992 : index
    %get3A_629 = vector.load %arg6[%get3A_627, %get3A_628] : memref<8x8192xf32, #tpu.memory_space<vmem>>, vector<8x128xf32>
    %reshape3A_630 = vector.shape_cast %get3A_629 : vector<8x128xf32> to vector<1x8x128xf32>
    %broadcast_in_dim3A_631 = vector.shape_cast %reshape3A_630 : vector<1x8x128xf32> to vector<1x8x128xf32>
    %broadcast_in_dim3A_632 = vector.broadcast %broadcast_in_dim3A_631 : vector<1x8x128xf32> to vector<128x8x128xf32>
    %reshape3A_633 = vector.shape_cast %broadcast_in_dim3A_632 : vector<128x8x128xf32> to vector<1024x128xf32>
    %add3A_634 = arith.addf %get3A_19, %reshape3A_633 : vector<1024x128xf32>
    %slice3A_635 = vector.extract_strided_slice %dot_general3A_521 {offsets = [0, 896], sizes = [1024, 128], strides = [1, 1]} : vector<1024x1024xf32> to vector<1024x128xf32>
    %add3A_636 = arith.addf %add3A_634, %slice3A_635 : vector<1024x128xf32>
    %lt3A_637 = arith.cmpf olt, %add3A_636, %select_n3A_623 : vector<1024x128xf32>
    %select_n3A_638 = arith.select %lt3A_637, %add3A_636, %select_n3A_623 : vector<1024x128xi1>, vector<1024x128xf32>
    %jit3A_639 = arith.constant 3.900000e+01 : f32
    %broadcast_in_dim3A_640 = vector.broadcast %jit3A_639 : f32 to vector<1024x128xf32>
    %select_n3A_641 = arith.select %lt3A_637, %broadcast_in_dim3A_640, %select_n3A_626 : vector<1024x128xi1>, vector<1024x128xf32>
    %get3A_642 = arith.constant 5120 : index
    %get3A_643 = arith.constant 0 : index
    %get3A_644 = vector.load %arg2[%get3A_642, %get3A_643] : memref<8192x256xf32, #tpu.memory_space<vmem>>, vector<1024x256xf32>
    %dot_general3A_645 = arith.constant dense<0.000000e+00> : vector<1024x1024xf32>
    %dot_general3A_646 = tpu.matmul %mul3A_7, %get3A_644, %dot_general3A_645 {dimension_numbers = #tpu.dot_dimension_numbers<[1], [1], [0], [0], [0, 0, 1, 0], [], []>, transpose_lhs_hint = false} : vector<1024x256xf32>, vector<1024x256xf32>, vector<1024x1024xf32> -> vector<1024x1024xf32>
    %get3A_647 = arith.constant 0 : index
    %get3A_648 = arith.constant 5120 : index
    %get3A_649 = vector.load %arg6[%get3A_647, %get3A_648] : memref<8x8192xf32, #tpu.memory_space<vmem>>, vector<8x128xf32>
    %reshape3A_650 = vector.shape_cast %get3A_649 : vector<8x128xf32> to vector<1x8x128xf32>
    %broadcast_in_dim3A_651 = vector.shape_cast %reshape3A_650 : vector<1x8x128xf32> to vector<1x8x128xf32>
    %broadcast_in_dim3A_652 = vector.broadcast %broadcast_in_dim3A_651 : vector<1x8x128xf32> to vector<128x8x128xf32>
    %reshape3A_653 = vector.shape_cast %broadcast_in_dim3A_652 : vector<128x8x128xf32> to vector<1024x128xf32>
    %add3A_654 = arith.addf %get3A_19, %reshape3A_653 : vector<1024x128xf32>
    %slice3A_655 = vector.extract_strided_slice %dot_general3A_646 {offsets = [0, 0], sizes = [1024, 128], strides = [1, 1]} : vector<1024x1024xf32> to vector<1024x128xf32>
    %add3A_656 = arith.addf %add3A_654, %slice3A_655 : vector<1024x128xf32>
    %lt3A_657 = arith.cmpf olt, %add3A_656, %select_n3A_638 : vector<1024x128xf32>
    %select_n3A_658 = arith.select %lt3A_657, %add3A_656, %select_n3A_638 : vector<1024x128xi1>, vector<1024x128xf32>
    %jit3A_659 = arith.constant 4.000000e+01 : f32
    %broadcast_in_dim3A_660 = vector.broadcast %jit3A_659 : f32 to vector<1024x128xf32>
    %select_n3A_661 = arith.select %lt3A_657, %broadcast_in_dim3A_660, %select_n3A_641 : vector<1024x128xi1>, vector<1024x128xf32>
    %get3A_662 = arith.constant 0 : index
    %get3A_663 = arith.constant 5248 : index
    %get3A_664 = vector.load %arg6[%get3A_662, %get3A_663] : memref<8x8192xf32, #tpu.memory_space<vmem>>, vector<8x128xf32>
    %reshape3A_665 = vector.shape_cast %get3A_664 : vector<8x128xf32> to vector<1x8x128xf32>
    %broadcast_in_dim3A_666 = vector.shape_cast %reshape3A_665 : vector<1x8x128xf32> to vector<1x8x128xf32>
    %broadcast_in_dim3A_667 = vector.broadcast %broadcast_in_dim3A_666 : vector<1x8x128xf32> to vector<128x8x128xf32>
    %reshape3A_668 = vector.shape_cast %broadcast_in_dim3A_667 : vector<128x8x128xf32> to vector<1024x128xf32>
    %add3A_669 = arith.addf %get3A_19, %reshape3A_668 : vector<1024x128xf32>
    %slice3A_670 = vector.extract_strided_slice %dot_general3A_646 {offsets = [0, 128], sizes = [1024, 128], strides = [1, 1]} : vector<1024x1024xf32> to vector<1024x128xf32>
    %add3A_671 = arith.addf %add3A_669, %slice3A_670 : vector<1024x128xf32>
    %lt3A_672 = arith.cmpf olt, %add3A_671, %select_n3A_658 : vector<1024x128xf32>
    %select_n3A_673 = arith.select %lt3A_672, %add3A_671, %select_n3A_658 : vector<1024x128xi1>, vector<1024x128xf32>
    %jit3A_674 = arith.constant 4.100000e+01 : f32
    %broadcast_in_dim3A_675 = vector.broadcast %jit3A_674 : f32 to vector<1024x128xf32>
    %select_n3A_676 = arith.select %lt3A_672, %broadcast_in_dim3A_675, %select_n3A_661 : vector<1024x128xi1>, vector<1024x128xf32>
    %get3A_677 = arith.constant 0 : index
    %get3A_678 = arith.constant 5376 : index
    %get3A_679 = vector.load %arg6[%get3A_677, %get3A_678] : memref<8x8192xf32, #tpu.memory_space<vmem>>, vector<8x128xf32>
    %reshape3A_680 = vector.shape_cast %get3A_679 : vector<8x128xf32> to vector<1x8x128xf32>
    %broadcast_in_dim3A_681 = vector.shape_cast %reshape3A_680 : vector<1x8x128xf32> to vector<1x8x128xf32>
    %broadcast_in_dim3A_682 = vector.broadcast %broadcast_in_dim3A_681 : vector<1x8x128xf32> to vector<128x8x128xf32>
    %reshape3A_683 = vector.shape_cast %broadcast_in_dim3A_682 : vector<128x8x128xf32> to vector<1024x128xf32>
    %add3A_684 = arith.addf %get3A_19, %reshape3A_683 : vector<1024x128xf32>
    %slice3A_685 = vector.extract_strided_slice %dot_general3A_646 {offsets = [0, 256], sizes = [1024, 128], strides = [1, 1]} : vector<1024x1024xf32> to vector<1024x128xf32>
    %add3A_686 = arith.addf %add3A_684, %slice3A_685 : vector<1024x128xf32>
    %lt3A_687 = arith.cmpf olt, %add3A_686, %select_n3A_673 : vector<1024x128xf32>
    %select_n3A_688 = arith.select %lt3A_687, %add3A_686, %select_n3A_673 : vector<1024x128xi1>, vector<1024x128xf32>
    %jit3A_689 = arith.constant 4.200000e+01 : f32
    %broadcast_in_dim3A_690 = vector.broadcast %jit3A_689 : f32 to vector<1024x128xf32>
    %select_n3A_691 = arith.select %lt3A_687, %broadcast_in_dim3A_690, %select_n3A_676 : vector<1024x128xi1>, vector<1024x128xf32>
    %get3A_692 = arith.constant 0 : index
    %get3A_693 = arith.constant 5504 : index
    %get3A_694 = vector.load %arg6[%get3A_692, %get3A_693] : memref<8x8192xf32, #tpu.memory_space<vmem>>, vector<8x128xf32>
    %reshape3A_695 = vector.shape_cast %get3A_694 : vector<8x128xf32> to vector<1x8x128xf32>
    %broadcast_in_dim3A_696 = vector.shape_cast %reshape3A_695 : vector<1x8x128xf32> to vector<1x8x128xf32>
    %broadcast_in_dim3A_697 = vector.broadcast %broadcast_in_dim3A_696 : vector<1x8x128xf32> to vector<128x8x128xf32>
    %reshape3A_698 = vector.shape_cast %broadcast_in_dim3A_697 : vector<128x8x128xf32> to vector<1024x128xf32>
    %add3A_699 = arith.addf %get3A_19, %reshape3A_698 : vector<1024x128xf32>
    %slice3A_700 = vector.extract_strided_slice %dot_general3A_646 {offsets = [0, 384], sizes = [1024, 128], strides = [1, 1]} : vector<1024x1024xf32> to vector<1024x128xf32>
    %add3A_701 = arith.addf %add3A_699, %slice3A_700 : vector<1024x128xf32>
    %lt3A_702 = arith.cmpf olt, %add3A_701, %select_n3A_688 : vector<1024x128xf32>
    %select_n3A_703 = arith.select %lt3A_702, %add3A_701, %select_n3A_688 : vector<1024x128xi1>, vector<1024x128xf32>
    %jit3A_704 = arith.constant 4.300000e+01 : f32
    %broadcast_in_dim3A_705 = vector.broadcast %jit3A_704 : f32 to vector<1024x128xf32>
    %select_n3A_706 = arith.select %lt3A_702, %broadcast_in_dim3A_705, %select_n3A_691 : vector<1024x128xi1>, vector<1024x128xf32>
    %get3A_707 = arith.constant 0 : index
    %get3A_708 = arith.constant 5632 : index
    %get3A_709 = vector.load %arg6[%get3A_707, %get3A_708] : memref<8x8192xf32, #tpu.memory_space<vmem>>, vector<8x128xf32>
    %reshape3A_710 = vector.shape_cast %get3A_709 : vector<8x128xf32> to vector<1x8x128xf32>
    %broadcast_in_dim3A_711 = vector.shape_cast %reshape3A_710 : vector<1x8x128xf32> to vector<1x8x128xf32>
    %broadcast_in_dim3A_712 = vector.broadcast %broadcast_in_dim3A_711 : vector<1x8x128xf32> to vector<128x8x128xf32>
    %reshape3A_713 = vector.shape_cast %broadcast_in_dim3A_712 : vector<128x8x128xf32> to vector<1024x128xf32>
    %add3A_714 = arith.addf %get3A_19, %reshape3A_713 : vector<1024x128xf32>
    %slice3A_715 = vector.extract_strided_slice %dot_general3A_646 {offsets = [0, 512], sizes = [1024, 128], strides = [1, 1]} : vector<1024x1024xf32> to vector<1024x128xf32>
    %add3A_716 = arith.addf %add3A_714, %slice3A_715 : vector<1024x128xf32>
    %lt3A_717 = arith.cmpf olt, %add3A_716, %select_n3A_703 : vector<1024x128xf32>
    %select_n3A_718 = arith.select %lt3A_717, %add3A_716, %select_n3A_703 : vector<1024x128xi1>, vector<1024x128xf32>
    %jit3A_719 = arith.constant 4.400000e+01 : f32
    %broadcast_in_dim3A_720 = vector.broadcast %jit3A_719 : f32 to vector<1024x128xf32>
    %select_n3A_721 = arith.select %lt3A_717, %broadcast_in_dim3A_720, %select_n3A_706 : vector<1024x128xi1>, vector<1024x128xf32>
    %get3A_722 = arith.constant 0 : index
    %get3A_723 = arith.constant 5760 : index
    %get3A_724 = vector.load %arg6[%get3A_722, %get3A_723] : memref<8x8192xf32, #tpu.memory_space<vmem>>, vector<8x128xf32>
    %reshape3A_725 = vector.shape_cast %get3A_724 : vector<8x128xf32> to vector<1x8x128xf32>
    %broadcast_in_dim3A_726 = vector.shape_cast %reshape3A_725 : vector<1x8x128xf32> to vector<1x8x128xf32>
    %broadcast_in_dim3A_727 = vector.broadcast %broadcast_in_dim3A_726 : vector<1x8x128xf32> to vector<128x8x128xf32>
    %reshape3A_728 = vector.shape_cast %broadcast_in_dim3A_727 : vector<128x8x128xf32> to vector<1024x128xf32>
    %add3A_729 = arith.addf %get3A_19, %reshape3A_728 : vector<1024x128xf32>
    %slice3A_730 = vector.extract_strided_slice %dot_general3A_646 {offsets = [0, 640], sizes = [1024, 128], strides = [1, 1]} : vector<1024x1024xf32> to vector<1024x128xf32>
    %add3A_731 = arith.addf %add3A_729, %slice3A_730 : vector<1024x128xf32>
    %lt3A_732 = arith.cmpf olt, %add3A_731, %select_n3A_718 : vector<1024x128xf32>
    %select_n3A_733 = arith.select %lt3A_732, %add3A_731, %select_n3A_718 : vector<1024x128xi1>, vector<1024x128xf32>
    %jit3A_734 = arith.constant 4.500000e+01 : f32
    %broadcast_in_dim3A_735 = vector.broadcast %jit3A_734 : f32 to vector<1024x128xf32>
    %select_n3A_736 = arith.select %lt3A_732, %broadcast_in_dim3A_735, %select_n3A_721 : vector<1024x128xi1>, vector<1024x128xf32>
    %get3A_737 = arith.constant 0 : index
    %get3A_738 = arith.constant 5888 : index
    %get3A_739 = vector.load %arg6[%get3A_737, %get3A_738] : memref<8x8192xf32, #tpu.memory_space<vmem>>, vector<8x128xf32>
    %reshape3A_740 = vector.shape_cast %get3A_739 : vector<8x128xf32> to vector<1x8x128xf32>
    %broadcast_in_dim3A_741 = vector.shape_cast %reshape3A_740 : vector<1x8x128xf32> to vector<1x8x128xf32>
    %broadcast_in_dim3A_742 = vector.broadcast %broadcast_in_dim3A_741 : vector<1x8x128xf32> to vector<128x8x128xf32>
    %reshape3A_743 = vector.shape_cast %broadcast_in_dim3A_742 : vector<128x8x128xf32> to vector<1024x128xf32>
    %add3A_744 = arith.addf %get3A_19, %reshape3A_743 : vector<1024x128xf32>
    %slice3A_745 = vector.extract_strided_slice %dot_general3A_646 {offsets = [0, 768], sizes = [1024, 128], strides = [1, 1]} : vector<1024x1024xf32> to vector<1024x128xf32>
    %add3A_746 = arith.addf %add3A_744, %slice3A_745 : vector<1024x128xf32>
    %lt3A_747 = arith.cmpf olt, %add3A_746, %select_n3A_733 : vector<1024x128xf32>
    %select_n3A_748 = arith.select %lt3A_747, %add3A_746, %select_n3A_733 : vector<1024x128xi1>, vector<1024x128xf32>
    %jit3A_749 = arith.constant 4.600000e+01 : f32
    %broadcast_in_dim3A_750 = vector.broadcast %jit3A_749 : f32 to vector<1024x128xf32>
    %select_n3A_751 = arith.select %lt3A_747, %broadcast_in_dim3A_750, %select_n3A_736 : vector<1024x128xi1>, vector<1024x128xf32>
    %get3A_752 = arith.constant 0 : index
    %get3A_753 = arith.constant 6016 : index
    %get3A_754 = vector.load %arg6[%get3A_752, %get3A_753] : memref<8x8192xf32, #tpu.memory_space<vmem>>, vector<8x128xf32>
    %reshape3A_755 = vector.shape_cast %get3A_754 : vector<8x128xf32> to vector<1x8x128xf32>
    %broadcast_in_dim3A_756 = vector.shape_cast %reshape3A_755 : vector<1x8x128xf32> to vector<1x8x128xf32>
    %broadcast_in_dim3A_757 = vector.broadcast %broadcast_in_dim3A_756 : vector<1x8x128xf32> to vector<128x8x128xf32>
    %reshape3A_758 = vector.shape_cast %broadcast_in_dim3A_757 : vector<128x8x128xf32> to vector<1024x128xf32>
    %add3A_759 = arith.addf %get3A_19, %reshape3A_758 : vector<1024x128xf32>
    %slice3A_760 = vector.extract_strided_slice %dot_general3A_646 {offsets = [0, 896], sizes = [1024, 128], strides = [1, 1]} : vector<1024x1024xf32> to vector<1024x128xf32>
    %add3A_761 = arith.addf %add3A_759, %slice3A_760 : vector<1024x128xf32>
    %lt3A_762 = arith.cmpf olt, %add3A_761, %select_n3A_748 : vector<1024x128xf32>
    %select_n3A_763 = arith.select %lt3A_762, %add3A_761, %select_n3A_748 : vector<1024x128xi1>, vector<1024x128xf32>
    %jit3A_764 = arith.constant 4.700000e+01 : f32
    %broadcast_in_dim3A_765 = vector.broadcast %jit3A_764 : f32 to vector<1024x128xf32>
    %select_n3A_766 = arith.select %lt3A_762, %broadcast_in_dim3A_765, %select_n3A_751 : vector<1024x128xi1>, vector<1024x128xf32>
    %get3A_767 = arith.constant 6144 : index
    %get3A_768 = arith.constant 0 : index
    %get3A_769 = vector.load %arg2[%get3A_767, %get3A_768] : memref<8192x256xf32, #tpu.memory_space<vmem>>, vector<1024x256xf32>
    %dot_general3A_770 = arith.constant dense<0.000000e+00> : vector<1024x1024xf32>
    %dot_general3A_771 = tpu.matmul %mul3A_7, %get3A_769, %dot_general3A_770 {dimension_numbers = #tpu.dot_dimension_numbers<[1], [1], [0], [0], [0, 0, 1, 0], [], []>, transpose_lhs_hint = false} : vector<1024x256xf32>, vector<1024x256xf32>, vector<1024x1024xf32> -> vector<1024x1024xf32>
    %get3A_772 = arith.constant 0 : index
    %get3A_773 = arith.constant 6144 : index
    %get3A_774 = vector.load %arg6[%get3A_772, %get3A_773] : memref<8x8192xf32, #tpu.memory_space<vmem>>, vector<8x128xf32>
    %reshape3A_775 = vector.shape_cast %get3A_774 : vector<8x128xf32> to vector<1x8x128xf32>
    %broadcast_in_dim3A_776 = vector.shape_cast %reshape3A_775 : vector<1x8x128xf32> to vector<1x8x128xf32>
    %broadcast_in_dim3A_777 = vector.broadcast %broadcast_in_dim3A_776 : vector<1x8x128xf32> to vector<128x8x128xf32>
    %reshape3A_778 = vector.shape_cast %broadcast_in_dim3A_777 : vector<128x8x128xf32> to vector<1024x128xf32>
    %add3A_779 = arith.addf %get3A_19, %reshape3A_778 : vector<1024x128xf32>
    %slice3A_780 = vector.extract_strided_slice %dot_general3A_771 {offsets = [0, 0], sizes = [1024, 128], strides = [1, 1]} : vector<1024x1024xf32> to vector<1024x128xf32>
    %add3A_781 = arith.addf %add3A_779, %slice3A_780 : vector<1024x128xf32>
    %lt3A_782 = arith.cmpf olt, %add3A_781, %select_n3A_763 : vector<1024x128xf32>
    %select_n3A_783 = arith.select %lt3A_782, %add3A_781, %select_n3A_763 : vector<1024x128xi1>, vector<1024x128xf32>
    %jit3A_784 = arith.constant 4.800000e+01 : f32
    %broadcast_in_dim3A_785 = vector.broadcast %jit3A_784 : f32 to vector<1024x128xf32>
    %select_n3A_786 = arith.select %lt3A_782, %broadcast_in_dim3A_785, %select_n3A_766 : vector<1024x128xi1>, vector<1024x128xf32>
    %get3A_787 = arith.constant 0 : index
    %get3A_788 = arith.constant 6272 : index
    %get3A_789 = vector.load %arg6[%get3A_787, %get3A_788] : memref<8x8192xf32, #tpu.memory_space<vmem>>, vector<8x128xf32>
    %reshape3A_790 = vector.shape_cast %get3A_789 : vector<8x128xf32> to vector<1x8x128xf32>
    %broadcast_in_dim3A_791 = vector.shape_cast %reshape3A_790 : vector<1x8x128xf32> to vector<1x8x128xf32>
    %broadcast_in_dim3A_792 = vector.broadcast %broadcast_in_dim3A_791 : vector<1x8x128xf32> to vector<128x8x128xf32>
    %reshape3A_793 = vector.shape_cast %broadcast_in_dim3A_792 : vector<128x8x128xf32> to vector<1024x128xf32>
    %add3A_794 = arith.addf %get3A_19, %reshape3A_793 : vector<1024x128xf32>
    %slice3A_795 = vector.extract_strided_slice %dot_general3A_771 {offsets = [0, 128], sizes = [1024, 128], strides = [1, 1]} : vector<1024x1024xf32> to vector<1024x128xf32>
    %add3A_796 = arith.addf %add3A_794, %slice3A_795 : vector<1024x128xf32>
    %lt3A_797 = arith.cmpf olt, %add3A_796, %select_n3A_783 : vector<1024x128xf32>
    %select_n3A_798 = arith.select %lt3A_797, %add3A_796, %select_n3A_783 : vector<1024x128xi1>, vector<1024x128xf32>
    %jit3A_799 = arith.constant 4.900000e+01 : f32
    %broadcast_in_dim3A_800 = vector.broadcast %jit3A_799 : f32 to vector<1024x128xf32>
    %select_n3A_801 = arith.select %lt3A_797, %broadcast_in_dim3A_800, %select_n3A_786 : vector<1024x128xi1>, vector<1024x128xf32>
    %get3A_802 = arith.constant 0 : index
    %get3A_803 = arith.constant 6400 : index
    %get3A_804 = vector.load %arg6[%get3A_802, %get3A_803] : memref<8x8192xf32, #tpu.memory_space<vmem>>, vector<8x128xf32>
    %reshape3A_805 = vector.shape_cast %get3A_804 : vector<8x128xf32> to vector<1x8x128xf32>
    %broadcast_in_dim3A_806 = vector.shape_cast %reshape3A_805 : vector<1x8x128xf32> to vector<1x8x128xf32>
    %broadcast_in_dim3A_807 = vector.broadcast %broadcast_in_dim3A_806 : vector<1x8x128xf32> to vector<128x8x128xf32>
    %reshape3A_808 = vector.shape_cast %broadcast_in_dim3A_807 : vector<128x8x128xf32> to vector<1024x128xf32>
    %add3A_809 = arith.addf %get3A_19, %reshape3A_808 : vector<1024x128xf32>
    %slice3A_810 = vector.extract_strided_slice %dot_general3A_771 {offsets = [0, 256], sizes = [1024, 128], strides = [1, 1]} : vector<1024x1024xf32> to vector<1024x128xf32>
    %add3A_811 = arith.addf %add3A_809, %slice3A_810 : vector<1024x128xf32>
    %lt3A_812 = arith.cmpf olt, %add3A_811, %select_n3A_798 : vector<1024x128xf32>
    %select_n3A_813 = arith.select %lt3A_812, %add3A_811, %select_n3A_798 : vector<1024x128xi1>, vector<1024x128xf32>
    %jit3A_814 = arith.constant 5.000000e+01 : f32
    %broadcast_in_dim3A_815 = vector.broadcast %jit3A_814 : f32 to vector<1024x128xf32>
    %select_n3A_816 = arith.select %lt3A_812, %broadcast_in_dim3A_815, %select_n3A_801 : vector<1024x128xi1>, vector<1024x128xf32>
    %get3A_817 = arith.constant 0 : index
    %get3A_818 = arith.constant 6528 : index
    %get3A_819 = vector.load %arg6[%get3A_817, %get3A_818] : memref<8x8192xf32, #tpu.memory_space<vmem>>, vector<8x128xf32>
    %reshape3A_820 = vector.shape_cast %get3A_819 : vector<8x128xf32> to vector<1x8x128xf32>
    %broadcast_in_dim3A_821 = vector.shape_cast %reshape3A_820 : vector<1x8x128xf32> to vector<1x8x128xf32>
    %broadcast_in_dim3A_822 = vector.broadcast %broadcast_in_dim3A_821 : vector<1x8x128xf32> to vector<128x8x128xf32>
    %reshape3A_823 = vector.shape_cast %broadcast_in_dim3A_822 : vector<128x8x128xf32> to vector<1024x128xf32>
    %add3A_824 = arith.addf %get3A_19, %reshape3A_823 : vector<1024x128xf32>
    %slice3A_825 = vector.extract_strided_slice %dot_general3A_771 {offsets = [0, 384], sizes = [1024, 128], strides = [1, 1]} : vector<1024x1024xf32> to vector<1024x128xf32>
    %add3A_826 = arith.addf %add3A_824, %slice3A_825 : vector<1024x128xf32>
    %lt3A_827 = arith.cmpf olt, %add3A_826, %select_n3A_813 : vector<1024x128xf32>
    %select_n3A_828 = arith.select %lt3A_827, %add3A_826, %select_n3A_813 : vector<1024x128xi1>, vector<1024x128xf32>
    %jit3A_829 = arith.constant 5.100000e+01 : f32
    %broadcast_in_dim3A_830 = vector.broadcast %jit3A_829 : f32 to vector<1024x128xf32>
    %select_n3A_831 = arith.select %lt3A_827, %broadcast_in_dim3A_830, %select_n3A_816 : vector<1024x128xi1>, vector<1024x128xf32>
    %get3A_832 = arith.constant 0 : index
    %get3A_833 = arith.constant 6656 : index
    %get3A_834 = vector.load %arg6[%get3A_832, %get3A_833] : memref<8x8192xf32, #tpu.memory_space<vmem>>, vector<8x128xf32>
    %reshape3A_835 = vector.shape_cast %get3A_834 : vector<8x128xf32> to vector<1x8x128xf32>
    %broadcast_in_dim3A_836 = vector.shape_cast %reshape3A_835 : vector<1x8x128xf32> to vector<1x8x128xf32>
    %broadcast_in_dim3A_837 = vector.broadcast %broadcast_in_dim3A_836 : vector<1x8x128xf32> to vector<128x8x128xf32>
    %reshape3A_838 = vector.shape_cast %broadcast_in_dim3A_837 : vector<128x8x128xf32> to vector<1024x128xf32>
    %add3A_839 = arith.addf %get3A_19, %reshape3A_838 : vector<1024x128xf32>
    %slice3A_840 = vector.extract_strided_slice %dot_general3A_771 {offsets = [0, 512], sizes = [1024, 128], strides = [1, 1]} : vector<1024x1024xf32> to vector<1024x128xf32>
    %add3A_841 = arith.addf %add3A_839, %slice3A_840 : vector<1024x128xf32>
    %lt3A_842 = arith.cmpf olt, %add3A_841, %select_n3A_828 : vector<1024x128xf32>
    %select_n3A_843 = arith.select %lt3A_842, %add3A_841, %select_n3A_828 : vector<1024x128xi1>, vector<1024x128xf32>
    %jit3A_844 = arith.constant 5.200000e+01 : f32
    %broadcast_in_dim3A_845 = vector.broadcast %jit3A_844 : f32 to vector<1024x128xf32>
    %select_n3A_846 = arith.select %lt3A_842, %broadcast_in_dim3A_845, %select_n3A_831 : vector<1024x128xi1>, vector<1024x128xf32>
    %get3A_847 = arith.constant 0 : index
    %get3A_848 = arith.constant 6784 : index
    %get3A_849 = vector.load %arg6[%get3A_847, %get3A_848] : memref<8x8192xf32, #tpu.memory_space<vmem>>, vector<8x128xf32>
    %reshape3A_850 = vector.shape_cast %get3A_849 : vector<8x128xf32> to vector<1x8x128xf32>
    %broadcast_in_dim3A_851 = vector.shape_cast %reshape3A_850 : vector<1x8x128xf32> to vector<1x8x128xf32>
    %broadcast_in_dim3A_852 = vector.broadcast %broadcast_in_dim3A_851 : vector<1x8x128xf32> to vector<128x8x128xf32>
    %reshape3A_853 = vector.shape_cast %broadcast_in_dim3A_852 : vector<128x8x128xf32> to vector<1024x128xf32>
    %add3A_854 = arith.addf %get3A_19, %reshape3A_853 : vector<1024x128xf32>
    %slice3A_855 = vector.extract_strided_slice %dot_general3A_771 {offsets = [0, 640], sizes = [1024, 128], strides = [1, 1]} : vector<1024x1024xf32> to vector<1024x128xf32>
    %add3A_856 = arith.addf %add3A_854, %slice3A_855 : vector<1024x128xf32>
    %lt3A_857 = arith.cmpf olt, %add3A_856, %select_n3A_843 : vector<1024x128xf32>
    %select_n3A_858 = arith.select %lt3A_857, %add3A_856, %select_n3A_843 : vector<1024x128xi1>, vector<1024x128xf32>
    %jit3A_859 = arith.constant 5.300000e+01 : f32
    %broadcast_in_dim3A_860 = vector.broadcast %jit3A_859 : f32 to vector<1024x128xf32>
    %select_n3A_861 = arith.select %lt3A_857, %broadcast_in_dim3A_860, %select_n3A_846 : vector<1024x128xi1>, vector<1024x128xf32>
    %get3A_862 = arith.constant 0 : index
    %get3A_863 = arith.constant 6912 : index
    %get3A_864 = vector.load %arg6[%get3A_862, %get3A_863] : memref<8x8192xf32, #tpu.memory_space<vmem>>, vector<8x128xf32>
    %reshape3A_865 = vector.shape_cast %get3A_864 : vector<8x128xf32> to vector<1x8x128xf32>
    %broadcast_in_dim3A_866 = vector.shape_cast %reshape3A_865 : vector<1x8x128xf32> to vector<1x8x128xf32>
    %broadcast_in_dim3A_867 = vector.broadcast %broadcast_in_dim3A_866 : vector<1x8x128xf32> to vector<128x8x128xf32>
    %reshape3A_868 = vector.shape_cast %broadcast_in_dim3A_867 : vector<128x8x128xf32> to vector<1024x128xf32>
    %add3A_869 = arith.addf %get3A_19, %reshape3A_868 : vector<1024x128xf32>
    %slice3A_870 = vector.extract_strided_slice %dot_general3A_771 {offsets = [0, 768], sizes = [1024, 128], strides = [1, 1]} : vector<1024x1024xf32> to vector<1024x128xf32>
    %add3A_871 = arith.addf %add3A_869, %slice3A_870 : vector<1024x128xf32>
    %lt3A_872 = arith.cmpf olt, %add3A_871, %select_n3A_858 : vector<1024x128xf32>
    %select_n3A_873 = arith.select %lt3A_872, %add3A_871, %select_n3A_858 : vector<1024x128xi1>, vector<1024x128xf32>
    %jit3A_874 = arith.constant 5.400000e+01 : f32
    %broadcast_in_dim3A_875 = vector.broadcast %jit3A_874 : f32 to vector<1024x128xf32>
    %select_n3A_876 = arith.select %lt3A_872, %broadcast_in_dim3A_875, %select_n3A_861 : vector<1024x128xi1>, vector<1024x128xf32>
    %get3A_877 = arith.constant 0 : index
    %get3A_878 = arith.constant 7040 : index
    %get3A_879 = vector.load %arg6[%get3A_877, %get3A_878] : memref<8x8192xf32, #tpu.memory_space<vmem>>, vector<8x128xf32>
    %reshape3A_880 = vector.shape_cast %get3A_879 : vector<8x128xf32> to vector<1x8x128xf32>
    %broadcast_in_dim3A_881 = vector.shape_cast %reshape3A_880 : vector<1x8x128xf32> to vector<1x8x128xf32>
    %broadcast_in_dim3A_882 = vector.broadcast %broadcast_in_dim3A_881 : vector<1x8x128xf32> to vector<128x8x128xf32>
    %reshape3A_883 = vector.shape_cast %broadcast_in_dim3A_882 : vector<128x8x128xf32> to vector<1024x128xf32>
    %add3A_884 = arith.addf %get3A_19, %reshape3A_883 : vector<1024x128xf32>
    %slice3A_885 = vector.extract_strided_slice %dot_general3A_771 {offsets = [0, 896], sizes = [1024, 128], strides = [1, 1]} : vector<1024x1024xf32> to vector<1024x128xf32>
    %add3A_886 = arith.addf %add3A_884, %slice3A_885 : vector<1024x128xf32>
    %lt3A_887 = arith.cmpf olt, %add3A_886, %select_n3A_873 : vector<1024x128xf32>
    %select_n3A_888 = arith.select %lt3A_887, %add3A_886, %select_n3A_873 : vector<1024x128xi1>, vector<1024x128xf32>
    %jit3A_889 = arith.constant 5.500000e+01 : f32
    %broadcast_in_dim3A_890 = vector.broadcast %jit3A_889 : f32 to vector<1024x128xf32>
    %select_n3A_891 = arith.select %lt3A_887, %broadcast_in_dim3A_890, %select_n3A_876 : vector<1024x128xi1>, vector<1024x128xf32>
    %get3A_892 = arith.constant 7168 : index
    %get3A_893 = arith.constant 0 : index
    %get3A_894 = vector.load %arg2[%get3A_892, %get3A_893] : memref<8192x256xf32, #tpu.memory_space<vmem>>, vector<1024x256xf32>
    %dot_general3A_895 = arith.constant dense<0.000000e+00> : vector<1024x1024xf32>
    %dot_general3A_896 = tpu.matmul %mul3A_7, %get3A_894, %dot_general3A_895 {dimension_numbers = #tpu.dot_dimension_numbers<[1], [1], [0], [0], [0, 0, 1, 0], [], []>, transpose_lhs_hint = false} : vector<1024x256xf32>, vector<1024x256xf32>, vector<1024x1024xf32> -> vector<1024x1024xf32>
    %get3A_897 = arith.constant 0 : index
    %get3A_898 = arith.constant 7168 : index
    %get3A_899 = vector.load %arg6[%get3A_897, %get3A_898] : memref<8x8192xf32, #tpu.memory_space<vmem>>, vector<8x128xf32>
    %reshape3A_900 = vector.shape_cast %get3A_899 : vector<8x128xf32> to vector<1x8x128xf32>
    %broadcast_in_dim3A_901 = vector.shape_cast %reshape3A_900 : vector<1x8x128xf32> to vector<1x8x128xf32>
    %broadcast_in_dim3A_902 = vector.broadcast %broadcast_in_dim3A_901 : vector<1x8x128xf32> to vector<128x8x128xf32>
    %reshape3A_903 = vector.shape_cast %broadcast_in_dim3A_902 : vector<128x8x128xf32> to vector<1024x128xf32>
    %add3A_904 = arith.addf %get3A_19, %reshape3A_903 : vector<1024x128xf32>
    %slice3A_905 = vector.extract_strided_slice %dot_general3A_896 {offsets = [0, 0], sizes = [1024, 128], strides = [1, 1]} : vector<1024x1024xf32> to vector<1024x128xf32>
    %add3A_906 = arith.addf %add3A_904, %slice3A_905 : vector<1024x128xf32>
    %lt3A_907 = arith.cmpf olt, %add3A_906, %select_n3A_888 : vector<1024x128xf32>
    %select_n3A_908 = arith.select %lt3A_907, %add3A_906, %select_n3A_888 : vector<1024x128xi1>, vector<1024x128xf32>
    %jit3A_909 = arith.constant 5.600000e+01 : f32
    %broadcast_in_dim3A_910 = vector.broadcast %jit3A_909 : f32 to vector<1024x128xf32>
    %select_n3A_911 = arith.select %lt3A_907, %broadcast_in_dim3A_910, %select_n3A_891 : vector<1024x128xi1>, vector<1024x128xf32>
    %get3A_912 = arith.constant 0 : index
    %get3A_913 = arith.constant 7296 : index
    %get3A_914 = vector.load %arg6[%get3A_912, %get3A_913] : memref<8x8192xf32, #tpu.memory_space<vmem>>, vector<8x128xf32>
    %reshape3A_915 = vector.shape_cast %get3A_914 : vector<8x128xf32> to vector<1x8x128xf32>
    %broadcast_in_dim3A_916 = vector.shape_cast %reshape3A_915 : vector<1x8x128xf32> to vector<1x8x128xf32>
    %broadcast_in_dim3A_917 = vector.broadcast %broadcast_in_dim3A_916 : vector<1x8x128xf32> to vector<128x8x128xf32>
    %reshape3A_918 = vector.shape_cast %broadcast_in_dim3A_917 : vector<128x8x128xf32> to vector<1024x128xf32>
    %add3A_919 = arith.addf %get3A_19, %reshape3A_918 : vector<1024x128xf32>
    %slice3A_920 = vector.extract_strided_slice %dot_general3A_896 {offsets = [0, 128], sizes = [1024, 128], strides = [1, 1]} : vector<1024x1024xf32> to vector<1024x128xf32>
    %add3A_921 = arith.addf %add3A_919, %slice3A_920 : vector<1024x128xf32>
    %lt3A_922 = arith.cmpf olt, %add3A_921, %select_n3A_908 : vector<1024x128xf32>
    %select_n3A_923 = arith.select %lt3A_922, %add3A_921, %select_n3A_908 : vector<1024x128xi1>, vector<1024x128xf32>
    %jit3A_924 = arith.constant 5.700000e+01 : f32
    %broadcast_in_dim3A_925 = vector.broadcast %jit3A_924 : f32 to vector<1024x128xf32>
    %select_n3A_926 = arith.select %lt3A_922, %broadcast_in_dim3A_925, %select_n3A_911 : vector<1024x128xi1>, vector<1024x128xf32>
    %get3A_927 = arith.constant 0 : index
    %get3A_928 = arith.constant 7424 : index
    %get3A_929 = vector.load %arg6[%get3A_927, %get3A_928] : memref<8x8192xf32, #tpu.memory_space<vmem>>, vector<8x128xf32>
    %reshape3A_930 = vector.shape_cast %get3A_929 : vector<8x128xf32> to vector<1x8x128xf32>
    %broadcast_in_dim3A_931 = vector.shape_cast %reshape3A_930 : vector<1x8x128xf32> to vector<1x8x128xf32>
    %broadcast_in_dim3A_932 = vector.broadcast %broadcast_in_dim3A_931 : vector<1x8x128xf32> to vector<128x8x128xf32>
    %reshape3A_933 = vector.shape_cast %broadcast_in_dim3A_932 : vector<128x8x128xf32> to vector<1024x128xf32>
    %add3A_934 = arith.addf %get3A_19, %reshape3A_933 : vector<1024x128xf32>
    %slice3A_935 = vector.extract_strided_slice %dot_general3A_896 {offsets = [0, 256], sizes = [1024, 128], strides = [1, 1]} : vector<1024x1024xf32> to vector<1024x128xf32>
    %add3A_936 = arith.addf %add3A_934, %slice3A_935 : vector<1024x128xf32>
    %lt3A_937 = arith.cmpf olt, %add3A_936, %select_n3A_923 : vector<1024x128xf32>
    %select_n3A_938 = arith.select %lt3A_937, %add3A_936, %select_n3A_923 : vector<1024x128xi1>, vector<1024x128xf32>
    %jit3A_939 = arith.constant 5.800000e+01 : f32
    %broadcast_in_dim3A_940 = vector.broadcast %jit3A_939 : f32 to vector<1024x128xf32>
    %select_n3A_941 = arith.select %lt3A_937, %broadcast_in_dim3A_940, %select_n3A_926 : vector<1024x128xi1>, vector<1024x128xf32>
    %get3A_942 = arith.constant 0 : index
    %get3A_943 = arith.constant 7552 : index
    %get3A_944 = vector.load %arg6[%get3A_942, %get3A_943] : memref<8x8192xf32, #tpu.memory_space<vmem>>, vector<8x128xf32>
    %reshape3A_945 = vector.shape_cast %get3A_944 : vector<8x128xf32> to vector<1x8x128xf32>
    %broadcast_in_dim3A_946 = vector.shape_cast %reshape3A_945 : vector<1x8x128xf32> to vector<1x8x128xf32>
    %broadcast_in_dim3A_947 = vector.broadcast %broadcast_in_dim3A_946 : vector<1x8x128xf32> to vector<128x8x128xf32>
    %reshape3A_948 = vector.shape_cast %broadcast_in_dim3A_947 : vector<128x8x128xf32> to vector<1024x128xf32>
    %add3A_949 = arith.addf %get3A_19, %reshape3A_948 : vector<1024x128xf32>
    %slice3A_950 = vector.extract_strided_slice %dot_general3A_896 {offsets = [0, 384], sizes = [1024, 128], strides = [1, 1]} : vector<1024x1024xf32> to vector<1024x128xf32>
    %add3A_951 = arith.addf %add3A_949, %slice3A_950 : vector<1024x128xf32>
    %lt3A_952 = arith.cmpf olt, %add3A_951, %select_n3A_938 : vector<1024x128xf32>
    %select_n3A_953 = arith.select %lt3A_952, %add3A_951, %select_n3A_938 : vector<1024x128xi1>, vector<1024x128xf32>
    %jit3A_954 = arith.constant 5.900000e+01 : f32
    %broadcast_in_dim3A_955 = vector.broadcast %jit3A_954 : f32 to vector<1024x128xf32>
    %select_n3A_956 = arith.select %lt3A_952, %broadcast_in_dim3A_955, %select_n3A_941 : vector<1024x128xi1>, vector<1024x128xf32>
    %get3A_957 = arith.constant 0 : index
    %get3A_958 = arith.constant 7680 : index
    %get3A_959 = vector.load %arg6[%get3A_957, %get3A_958] : memref<8x8192xf32, #tpu.memory_space<vmem>>, vector<8x128xf32>
    %reshape3A_960 = vector.shape_cast %get3A_959 : vector<8x128xf32> to vector<1x8x128xf32>
    %broadcast_in_dim3A_961 = vector.shape_cast %reshape3A_960 : vector<1x8x128xf32> to vector<1x8x128xf32>
    %broadcast_in_dim3A_962 = vector.broadcast %broadcast_in_dim3A_961 : vector<1x8x128xf32> to vector<128x8x128xf32>
    %reshape3A_963 = vector.shape_cast %broadcast_in_dim3A_962 : vector<128x8x128xf32> to vector<1024x128xf32>
    %add3A_964 = arith.addf %get3A_19, %reshape3A_963 : vector<1024x128xf32>
    %slice3A_965 = vector.extract_strided_slice %dot_general3A_896 {offsets = [0, 512], sizes = [1024, 128], strides = [1, 1]} : vector<1024x1024xf32> to vector<1024x128xf32>
    %add3A_966 = arith.addf %add3A_964, %slice3A_965 : vector<1024x128xf32>
    %lt3A_967 = arith.cmpf olt, %add3A_966, %select_n3A_953 : vector<1024x128xf32>
    %select_n3A_968 = arith.select %lt3A_967, %add3A_966, %select_n3A_953 : vector<1024x128xi1>, vector<1024x128xf32>
    %jit3A_969 = arith.constant 6.000000e+01 : f32
    %broadcast_in_dim3A_970 = vector.broadcast %jit3A_969 : f32 to vector<1024x128xf32>
    %select_n3A_971 = arith.select %lt3A_967, %broadcast_in_dim3A_970, %select_n3A_956 : vector<1024x128xi1>, vector<1024x128xf32>
    %get3A_972 = arith.constant 0 : index
    %get3A_973 = arith.constant 7808 : index
    %get3A_974 = vector.load %arg6[%get3A_972, %get3A_973] : memref<8x8192xf32, #tpu.memory_space<vmem>>, vector<8x128xf32>
    %reshape3A_975 = vector.shape_cast %get3A_974 : vector<8x128xf32> to vector<1x8x128xf32>
    %broadcast_in_dim3A_976 = vector.shape_cast %reshape3A_975 : vector<1x8x128xf32> to vector<1x8x128xf32>
    %broadcast_in_dim3A_977 = vector.broadcast %broadcast_in_dim3A_976 : vector<1x8x128xf32> to vector<128x8x128xf32>
    %reshape3A_978 = vector.shape_cast %broadcast_in_dim3A_977 : vector<128x8x128xf32> to vector<1024x128xf32>
    %add3A_979 = arith.addf %get3A_19, %reshape3A_978 : vector<1024x128xf32>
    %slice3A_980 = vector.extract_strided_slice %dot_general3A_896 {offsets = [0, 640], sizes = [1024, 128], strides = [1, 1]} : vector<1024x1024xf32> to vector<1024x128xf32>
    %add3A_981 = arith.addf %add3A_979, %slice3A_980 : vector<1024x128xf32>
    %lt3A_982 = arith.cmpf olt, %add3A_981, %select_n3A_968 : vector<1024x128xf32>
    %select_n3A_983 = arith.select %lt3A_982, %add3A_981, %select_n3A_968 : vector<1024x128xi1>, vector<1024x128xf32>
    %jit3A_984 = arith.constant 6.100000e+01 : f32
    %broadcast_in_dim3A_985 = vector.broadcast %jit3A_984 : f32 to vector<1024x128xf32>
    %select_n3A_986 = arith.select %lt3A_982, %broadcast_in_dim3A_985, %select_n3A_971 : vector<1024x128xi1>, vector<1024x128xf32>
    %get3A_987 = arith.constant 0 : index
    %get3A_988 = arith.constant 7936 : index
    %get3A_989 = vector.load %arg6[%get3A_987, %get3A_988] : memref<8x8192xf32, #tpu.memory_space<vmem>>, vector<8x128xf32>
    %reshape3A_990 = vector.shape_cast %get3A_989 : vector<8x128xf32> to vector<1x8x128xf32>
    %broadcast_in_dim3A_991 = vector.shape_cast %reshape3A_990 : vector<1x8x128xf32> to vector<1x8x128xf32>
    %broadcast_in_dim3A_992 = vector.broadcast %broadcast_in_dim3A_991 : vector<1x8x128xf32> to vector<128x8x128xf32>
    %reshape3A_993 = vector.shape_cast %broadcast_in_dim3A_992 : vector<128x8x128xf32> to vector<1024x128xf32>
    %add3A_994 = arith.addf %get3A_19, %reshape3A_993 : vector<1024x128xf32>
    %slice3A_995 = vector.extract_strided_slice %dot_general3A_896 {offsets = [0, 768], sizes = [1024, 128], strides = [1, 1]} : vector<1024x1024xf32> to vector<1024x128xf32>
    %add3A_996 = arith.addf %add3A_994, %slice3A_995 : vector<1024x128xf32>
    %lt3A_997 = arith.cmpf olt, %add3A_996, %select_n3A_983 : vector<1024x128xf32>
    %select_n3A_998 = arith.select %lt3A_997, %add3A_996, %select_n3A_983 : vector<1024x128xi1>, vector<1024x128xf32>
    %jit3A_999 = arith.constant 6.200000e+01 : f32
    %broadcast_in_dim3A_1000 = vector.broadcast %jit3A_999 : f32 to vector<1024x128xf32>
    %select_n3A_1001 = arith.select %lt3A_997, %broadcast_in_dim3A_1000, %select_n3A_986 : vector<1024x128xi1>, vector<1024x128xf32>
    %get3A_1002 = arith.constant 0 : index
    %get3A_1003 = arith.constant 8064 : index
    %get3A_1004 = vector.load %arg6[%get3A_1002, %get3A_1003] : memref<8x8192xf32, #tpu.memory_space<vmem>>, vector<8x128xf32>
    %reshape3A_1005 = vector.shape_cast %get3A_1004 : vector<8x128xf32> to vector<1x8x128xf32>
    %broadcast_in_dim3A_1006 = vector.shape_cast %reshape3A_1005 : vector<1x8x128xf32> to vector<1x8x128xf32>
    %broadcast_in_dim3A_1007 = vector.broadcast %broadcast_in_dim3A_1006 : vector<1x8x128xf32> to vector<128x8x128xf32>
    %reshape3A_1008 = vector.shape_cast %broadcast_in_dim3A_1007 : vector<128x8x128xf32> to vector<1024x128xf32>
    %add3A_1009 = arith.addf %get3A_19, %reshape3A_1008 : vector<1024x128xf32>
    %slice3A_1010 = vector.extract_strided_slice %dot_general3A_896 {offsets = [0, 896], sizes = [1024, 128], strides = [1, 1]} : vector<1024x1024xf32> to vector<1024x128xf32>
    %add3A_1011 = arith.addf %add3A_1009, %slice3A_1010 : vector<1024x128xf32>
    %lt3A_1012 = arith.cmpf olt, %add3A_1011, %select_n3A_998 : vector<1024x128xf32>
    %select_n3A_1013 = arith.select %lt3A_1012, %add3A_1011, %select_n3A_998 : vector<1024x128xi1>, vector<1024x128xf32>
    %jit3A_1014 = arith.constant 6.300000e+01 : f32
    %broadcast_in_dim3A_1015 = vector.broadcast %jit3A_1014 : f32 to vector<1024x128xf32>
    %select_n3A_1016 = arith.select %lt3A_1012, %broadcast_in_dim3A_1015, %select_n3A_1001 : vector<1024x128xi1>, vector<1024x128xf32>
    %reduce_min3A = arith.constant dense<0x7F800000> : vector<1024xf32>
    %reduce_min3A_1017 = vector.multi_reduction <minimumf>, %select_n3A_1013, %reduce_min3A [1] : vector<1024x128xf32> to vector<1024xf32>
    %broadcast_in_dim3A_1018 = vector.shape_cast %reduce_min3A_1017 : vector<1024xf32> to vector<1024x1xf32>
    %mul3A_1019 = arith.constant 1.280000e+02 : f32
    %mul3A_1020 = vector.broadcast %mul3A_1019 : f32 to vector<1024x128xf32>
    %mul3A_1021 = arith.mulf %select_n3A_1016, %mul3A_1020 : vector<1024x128xf32>
    %get3A_1022 = arith.constant 0 : index
    %get3A_1023 = arith.constant 0 : index
    %get3A_1024 = vector.load %arg7[%get3A_1022, %get3A_1023] : memref<1024x128xf32, #tpu.memory_space<vmem>>, vector<1024x128xf32>
    %add3A_1025 = arith.addf %mul3A_1021, %get3A_1024 : vector<1024x128xf32>
    %eq3A_1026 = vector.broadcast %broadcast_in_dim3A_1018 : vector<1024x1xf32> to vector<1024x128xf32>
    %eq3A_1027 = arith.cmpf oeq, %select_n3A_1013, %eq3A_1026 : vector<1024x128xf32>
    %jit3A_1028 = arith.constant 8.192000e+03 : f32
    %broadcast_in_dim3A_1029 = vector.broadcast %jit3A_1028 : f32 to vector<1024x128xf32>
    %select_n3A_1030 = arith.select %eq3A_1027, %add3A_1025, %broadcast_in_dim3A_1029 : vector<1024x128xi1>, vector<1024x128xf32>
    %reduce_min3A_1031 = arith.constant dense<0x7F800000> : vector<1024xf32>
    %reduce_min3A_1032 = vector.multi_reduction <minimumf>, %select_n3A_1030, %reduce_min3A_1031 [1] : vector<1024x128xf32> to vector<1024xf32>
    %broadcast_in_dim3A_1033 = vector.shape_cast %reduce_min3A_1032 : vector<1024xf32> to vector<1024x1xf32>
    %convert_element_type3A_1034 = arith.fptosi %broadcast_in_dim3A_1033 : vector<1024x1xf32> to vector<1024x1xi32>
    %swap3A_1035 = arith.constant 0 : index
    %swap3A_1036 = arith.constant 0 : index
    %swap3A_1037 = vector.load %arg3[%swap3A_1035, %swap3A_1036] : memref<1024x1xi32, #tpu.memory_space<vmem>>, vector<1024x1xi32>
    tpu.vector_store %arg3[%swap3A_1035, %swap3A_1036], %convert_element_type3A_1034 {strides = array<i32>} : memref<1024x1xi32, #tpu.memory_space<vmem>>, vector<1024x1xi32>,
    %reduce_sum3A_1038 = vector.shape_cast %broadcast_in_dim3A_1018 : vector<1024x1xf32> to vector<1x1024x1xf32>
    %reduce_sum3A_1039 = arith.constant dense<0.000000e+00> : vector<1xf32>
    %reduce_sum3A_1040 = vector.multi_reduction <add>, %reduce_sum3A_1038, %reduce_sum3A_1039 [1, 2] : vector<1x1024x1xf32> to vector<1xf32>
    %reduce_sum3A_1041 = vector.shape_cast %reduce_sum3A_1040 : vector<1xf32> to vector<1x1x1xf32>
    %reduce_sum3A_1042 = vector.extract %reduce_sum3A_1041[0, 0, 0] : f32 from vector<1x1x1xf32>
    %eq3A_1043 = arith.constant 0 : i32
    %eq3A_1044 = arith.cmpi eq, %arg0, %eq3A_1043 : i32
    %convert_element_type3A_1045 = arith.extui %eq3A_1044 : i1 to i32
    %cond3A_1046 = arith.constant 0 : i32
    %cond3A_1047 = arith.cmpi ne, %convert_element_type3A_1045, %cond3A_1046 : i32
    scf.if %cond3A_1047 {
      %swap3A_1057 = arith.constant 0 : index
      %swap3A_1058 = arith.constant 0 : index
      %swap3A_1059 = memref.load %arg4[%swap3A_1057, %swap3A_1058] : memref<1x1xf32, #tpu.memory_space<smem>>
      memref.store %reduce_sum3A_1042, %arg4[%swap3A_1057, %swap3A_1058] : memref<1x1xf32, #tpu.memory_space<smem>>
    } else {
    }
    %gt3A = arith.constant 0 : i32
    %gt3A_1048 = arith.cmpi sgt, %arg0, %gt3A : i32
    %convert_element_type3A_1049 = arith.extui %gt3A_1048 : i1 to i32
    %cond3A_1050 = arith.constant 0 : i32
    %cond3A_1051 = arith.cmpi ne, %convert_element_type3A_1049, %cond3A_1050 : i32
    scf.if %cond3A_1051 {
      %get3A_1057 = arith.constant 0 : index
      %get3A_1058 = arith.constant 0 : index
      %get3A_1059 = memref.load %arg4[%get3A_1057, %get3A_1058] : memref<1x1xf32, #tpu.memory_space<smem>>
      %add3A_1060 = arith.addf %get3A_1059, %reduce_sum3A_1042 : f32
      %swap3A_1061 = arith.constant 0 : index
      %swap3A_1062 = arith.constant 0 : index
      %swap3A_1063 = memref.load %arg4[%swap3A_1061, %swap3A_1062] : memref<1x1xf32, #tpu.memory_space<smem>>
      memref.store %add3A_1060, %arg4[%swap3A_1061, %swap3A_1062] : memref<1x1xf32, #tpu.memory_space<smem>>
    } else {
    }
    %eq3A_1052 = arith.constant 7 : i32
    %eq3A_1053 = arith.cmpi eq, %arg0, %eq3A_1052 : i32
    %convert_element_type3A_1054 = arith.extui %eq3A_1053 : i1 to i32
    %cond3A_1055 = arith.constant 0 : i32
    %cond3A_1056 = arith.cmpi ne, %convert_element_type3A_1054, %cond3A_1055 : i32
    scf.if %cond3A_1056 {
      %get3A_1057 = arith.constant 0 : index
      %get3A_1058 = arith.constant 0 : index
      %get3A_1059 = memref.load %arg4[%get3A_1057, %get3A_1058] : memref<1x1xf32, #tpu.memory_space<smem>>
      %mul3A_1060 = arith.constant 5.96046448E-7 : f32
      %mul3A_1061 = arith.mulf %get3A_1059, %mul3A_1060 : f32
      %swap3A_1062 = arith.constant 0 : index
      %swap3A_1063 = arith.constant 0 : index
      %swap3A_1064 = memref.load %arg4[%swap3A_1062, %swap3A_1063] : memref<1x1xf32, #tpu.memory_space<smem>>
      memref.store %mul3A_1061, %arg4[%swap3A_1062, %swap3A_1063] : memref<1x1xf32, #tpu.memory_space<smem>>
    } else {
    }
    return
  }
  func.func @transform_0(%arg0: i32) -> (i32, i32, i32) {
    %c0_i32 = arith.constant 0 : i32
    %c0_i32_0 = arith.constant 0 : i32
    %c0_i32_1 = arith.constant 0 : i32
    return %arg0, %c0_i32, %c0_i32_0 : i32, i32, i32
  }
  func.func @transform_1(%arg0: i32) -> (i32, i32) {
    %c0_i32 = arith.constant 0 : i32
    %c0_i32_0 = arith.constant 0 : i32
    %c0_i32_1 = arith.constant 0 : i32
    return %c0_i32, %c0_i32_0 : i32, i32
  }
  func.func @transform_2(%arg0: i32) -> (i32, i32) {
    %c0_i32 = arith.constant 0 : i32
    %c0_i32_0 = arith.constant 0 : i32
    return %arg0, %c0_i32 : i32, i32
  }
  func.func @transform_3(%arg0: i32) -> (i32, i32) {
    %c0_i32 = arith.constant 0 : i32
    %c0_i32_0 = arith.constant 0 : i32
    %c0_i32_1 = arith.constant 0 : i32
    return %c0_i32, %c0_i32_0 : i32, i32
  }
}

</mosaic_0001>

<sc_bundles>
// kernel: kernel.5.cloned.1.call-start
scs
__scs_entry_jumppad:
0x0: {  	(pc) =	sbr.rel $0x88, $3  }
0x1: {  	(tag) =	ssettag $0x0;
	lr =	simm.s32 $0x1  }
0x2: {  	[smem:$0x3F9F] =	sst lr;
	_ =	strace $0xD0000000  }
0x3: {  	_ = 	snop  }
0x4: {  	_ = 	snop  }
0x5: {  	_ = 	snop  }
0x6: {  	_ = 	snop  }
0x7: {  	_ = 	snop  }
__scs_overlays_trampoline_lowered:
0x8: {  	[smem:$0x3FAE] =	sst s0  }
0x9: {  	[smem:$0x3FAF] =	sst s1  }
0xa: {  	[smem:$0x3FB0] =	sst s2  }
0xb: {  	[smem:$0x3FB1] =	sst s3  }
0xc: {  	[smem:$0x3FB2] =	sst s4  }
0xd: {  	[smem:$0x3FB3] =	sst s5  }
0xe: {  	[smem:$0x3FB4] =	sst s6  }
0xf: {  	[smem:$0x3FB5] =	sst s7  }
0x10: {  	[smem:$0x3FB6] =	sst s8  }
0x11: {  	[smem:$0x3FB7] =	sst s9;
	s0 =	simm.s32 @!p0 $0x0  }
0x12: {  	s1 =	sld [smem:$0x3F9D];
	s0 =	simm.s32 @p0 $0x1  }
0x13: {  	[smem:$0x3FB8] =	sst s0;
	s0 =	simm.s32 @!p1 $0x0  }
0x14: {  	s2 =	sld [smem:$0x3F9C];
	s0 =	simm.s32 @p1 $0x1  }
0x15: {  	[smem:$0x3FB9] =	sst s0;
	s0 =	simm.s32 @!p2 $0x0  }
0x16: {  	s3 =	sld [smem:$0x3FDB];
	s0 =	simm.s32 @p2 $0x1  }
0x17: {  	s4 =	simm.s32 $0x1BF5;
	[smem:$0x3FBB] =	sst s0  }
0x18: {  	s0 =	sld [smem:$0x3F9E];
	_ =	swait.ge [sflag:s4], $0x0  }
0x19: {  	s7 =	sld [smem:$0x3F9F]  }
0x1a: {  	s8 =	sadd.s32 $0xFFFFE003, lr  }
0x1b: {  	s9 =	sadd.s32 $0xFFFFFEF7, lr;
	s5 =	simm.s32 $0xFFFFFFFF;
	p2 =	slt.u32 s8, $0xFFFFF086  }
0x1c: {  	p1 =	slt.u32 s9, $0xF7A;
	s5 =	simm.s32 @!p2 $0x0  }
0x1d: {  	s5 =	simm.s32 @p1 $0x1;
	p0 =	seq.s32 s7, s2  }
0x1e: {  	s7 =	smul.u32 @!p0 $0xF7A, s2;
	p2 =	seq.s32 @!p0 s5, $0x0  }
0x1f: {  	s9 =	smul.u32 $0xF7A, s1;
	s8 =	simm.s32 @!p0 $0x1BF5;
	p2 =	por !p2, p0  }
0x20: {  	[sflag:s8] =	ssyncset.s32 @!p0 $0xFFFFF086;
	s6 =	sadd.s32 @!p0 s3, s7;
	s7 =	simm.s32 @!p0 $0x108  }
0x21: {  	s3 =	sadd.s32 s3, s9;
	s6 =	sadd.s32 @!p0 $0x88, s6;
	s7 =	simm.s32 @p2 $0x1082  }
0x22: {  	[simem:s7], [sflag:s8] =	dma.local @!p0 [hbm:s6], $0xF7A  }
0x23: {  	s9 =	sor.u32 $0xD0000000, s2;
	s6 =	simm.s32 $0x108;
	_ =	swait.ge @!p0 [sflag:s8], $0x0  }
0x24: {  	s3 =	sadd.s32 $0x88, s3;
	s6 =	simm.s32 @!p1 $0x1082;
	[sflag:s4] =	ssyncset.s32 $0xFFFFF086  }
0x25: {  	[simem:s6], [sflag:s4] =	dma.local [hbm:s3], $0xF7A  }
0x26: {  	[smem:$0x3F9F] =	sst s1;
	(tag) =	ssettag s2;
	_ =	strace s9  }
0x27: {  	s1 =	sld [smem:$0x3FAF]  }
0x28: {  	s2 =	sld [smem:$0x3FB0]  }
0x29: {  	s4 =	sld [smem:$0x3FB2]  }
0x2a: {  	p0 =	seq.s32 s5, $0x0;
	s5 =	sld [smem:$0x3FB3]  }
0x2b: {  	s6 =	sld [smem:$0x3FB4]  }
0x2c: {  	s7 =	sld [smem:$0x3FB5]  }
0x2d: {  	s3 =	simm.s32 $0x108;
	s8 =	sld [smem:$0x3FB6]  }
0x2e: {  	s3 =	simm.s32 @!p0 $0x1082;
	s9 =	sld [smem:$0x3FB7]  }
0x2f: {  	lr =	sadd.s32 s0, s3;
	s0 =	sld [smem:$0x3FAE]  }
0x30: {  	s3 =	sld [smem:$0x3FB1]  }
0x31: {  	[smem:$0x3FBA] =	sst s10  }
0x32: {  	s10 =	sld [smem:$0x3FB8];
	_ =	sdelay $0x3  }
0x33: {  	p0 =	seq.s32 s10, $0x1;
	s10 =	sld [smem:$0x3FBA];
	_ =	sdelay $0x3  }
0x34: {  	[smem:$0x3FBA] =	sst s10  }
0x35: {  	s10 =	sld [smem:$0x3FB9];
	_ =	sdelay $0x3  }
0x36: {  	p1 =	seq.s32 s10, $0x1;
	s10 =	sld [smem:$0x3FBA];
	_ =	sdelay $0x3  }
0x37: {  	[smem:$0x3FBA] =	sst s10  }
0x38: {  	s10 =	sld [smem:$0x3FBB]  }
0x39: {  	_ = 	snop;
	(pc) =	sbr.ind lr, $3  }
0x3a: {  	_ = 	snop  }
0x3b: {  	_ = 	snop  }
0x3c: {  	p2 =	seq.s32 s10, $0x1;
	s10 =	sld [smem:$0x3FBA]  }
0x3d: {  	_ =	shalt  }
0x3e: {  	_ =	shalt  }
0x3f: {  	_ =	shalt  }
0x40: {  	_ =	shalt  }
0x41: {  	_ =	shalt  }
0x42: {  	_ =	shalt  }
0x43: {  	_ =	shalt  }
0x44: {  	_ =	shalt  }
0x45: {  	_ =	shalt  }
0x46: {  	_ =	shalt  }
0x47: {  	_ =	shalt  }
0x48: {  	_ =	shalt  }
0x49: {  	_ =	shalt  }
0x4a: {  	_ =	shalt  }
0x4b: {  	_ =	shalt  }
0x4c: {  	_ =	shalt  }
0x4d: {  	_ =	shalt  }
0x4e: {  	_ =	shalt  }
0x4f: {  	_ =	shalt  }
0x50: {  	_ =	shalt  }
0x51: {  	_ =	shalt  }
0x52: {  	_ =	shalt  }
0x53: {  	_ =	shalt  }
0x54: {  	_ =	shalt  }
0x55: {  	_ =	shalt  }
0x56: {  	_ =	shalt  }
0x57: {  	_ =	shalt  }
0x58: {  	_ =	shalt  }
0x59: {  	_ =	shalt  }
0x5a: {  	_ =	shalt  }
0x5b: {  	_ =	shalt  }
0x5c: {  	_ =	shalt  }
0x5d: {  	_ =	shalt  }
0x5e: {  	_ =	shalt  }
0x5f: {  	_ =	shalt  }
0x60: {  	_ =	shalt  }
0x61: {  	_ =	shalt  }
0x62: {  	_ =	shalt  }
0x63: {  	_ =	shalt  }
0x64: {  	_ =	shalt  }
0x65: {  	_ =	shalt  }
0x66: {  	_ =	shalt  }
0x67: {  	_ =	shalt  }
0x68: {  	_ =	shalt  }
0x69: {  	_ =	shalt  }
0x6a: {  	_ =	shalt  }
0x6b: {  	_ =	shalt  }
0x6c: {  	_ =	shalt  }
0x6d: {  	_ =	shalt  }
0x6e: {  	_ =	shalt  }
0x6f: {  	_ =	shalt  }
0x70: {  	_ =	shalt  }
0x71: {  	_ =	shalt  }
0x72: {  	_ =	shalt  }
0x73: {  	_ =	shalt  }
0x74: {  	_ =	shalt  }
0x75: {  	_ =	shalt  }
0x76: {  	_ =	shalt  }
0x77: {  	_ =	shalt  }
0x78: {  	_ =	shalt  }
0x79: {  	_ =	shalt  }
0x7a: {  	_ =	shalt  }
0x7b: {  	_ =	shalt  }
0x7c: {  	_ =	shalt  }
0x7d: {  	_ =	shalt  }
0x7e: {  	_ =	shalt  }
0x7f: {  	_ =	shalt  }
0x80: {  	_ =	shalt  }
0x81: {  	_ =	shalt  }
0x82: {  	_ =	shalt  }
0x83: {  	_ =	shalt  }
0x84: {  	_ =	shalt  }
0x85: {  	_ =	shalt  }
0x86: {  	_ =	shalt  }
0x87: {  	_ =	shalt  }
.Lfunc_end0:
.L_simem_size_0:
called_computation_lowered:
.L_overlay_start_0:
0x88: {  	s2 =	sld [smem:$0x3FD9]  }
0x89: {  	s3 =	sld [smem:$0x3FFE];
	_ =	sdelay $0x1  }
0x8a: {  	s1 =	srdreg.scid  }
0x8b: {  	s0 =	sand.u32 $0x1, s1  }
0x8c: {  	s15 =	sshll.u32 s0, $0xA;
	s2 =	sadd.s32 s3, s2  }
0x8d: {  	s2 =	sadd.s32 s2, s15  }
0x8e: {  	[smem:$0x3FC6] =	sst s2  }
0x8f: {  	_ = 	snop  }
0x90: {  	s2 =	sld [smem:$0x3FD0];
	_ =	sdelay $0x2  }
0x91: {  	s4 =	simm.s32 $0xA;
	s5 =	simm.s32 $0x10;
	s16 =	sld [smem:$0x3FC8]  }
0x92: {  	[smem:s5], [sflag:s4] =	dma.local [hbm:s2], $0x1  }
0x93: {  	_ =	swait.eq [sflag:s4], $0x1  }
0x94: {  	[sflag:s4] =	ssyncset.done $0x0  }
0x95: {  	s17 =	sld [smem:$0x10];
	[sflag:s4] =	ssyncadd.s32 $0xFFFFFFFF  }
0x96: {  	s18 =	sld [smem:$0x12];
	(tm) =	ssettm $0x1  }
0x97: {  	s19 =	sld [smem:$0x3FFB];
	_ =	sdelay $0x3  }
0x98: {  	_ =	strace s19  }
0x99: {  	s5 =	sld [smem:$0x3FFC];
	_ =	sdelay $0x3  }
0x9a: {  	_ =	strace s5  }
0x9b: {  	s5 =	sld [smem:$0x3FFD];
	_ =	sdelay $0x3  }
0x9c: {  	_ =	strace s5  }
0x9d: {  	_ =	strace $0x8FFFFFFF  }
0x9e: {  	s20 =	sld [smem:$0x3FDB];
	_ =	sdelay $0x1  }
0x9f: {  	s6 =	simm.s32 $_scs_section_size  }
0xa0: {  	s7 =	simm.s32 $_size__tile_overlayer_lowered;
	s8 =	simm.s32 $_tile_overlayer_lowered  }
0xa1: {  	s23 =	simm.s32 $0x1BFF;
	s22 =	sshll.u32 s8, $0x1;
	s5 =	sadd.s32 s6, s20  }
0xa2: {  	s9 =	simm.s32 $0x0;
	s21 =	sshll.u32 s7, $0x1;
	s7 =	sadd.s32 s22, s5  }
0xa3: {  	[timem:s9], [sflag:s23] =	dma.local [hbm:s7], s21  }
0xa4: {  	_ =	swait.ge [sflag:s23], s21  }
0xa5: {  	s6 =	ssub.s32 $0x0, s21;
	[sflag:s23] =	ssyncset.done $0x0  }
0xa6: {  	[sflag:s23] =	ssyncadd.s32 s6;
	_ =	sdelay $0x1  }
0xa7: {  	s24 =	simm.s32 $0x1B8B  }
0xa8: {  	_ =	swait.ge [sflag:s24], $0x1  }
0xa9: {  	[sflag:s24] =	ssyncset.done $0x0  }
0xaa: {  	s25 =	simm.s32 $0x1B8E;
	[sflag:s24] =	ssyncadd.s32 $0xFFFFFFFF  }
0xab: {  	s26 =	simm.s32 $execute0_lowered;
	[smem:$0x3FD2] =	sst s25  }
0xac: {  	s6 =	sshll.u32 s26, $0x1;
	_ =	strace $0x80000046;
	[dreg:$0x1] =	wrdreg $0xFFFFFFFF  }
0xad: {  	s28 =	simm.s32 $_size_execute0_lowered;
	s5 =	sadd.s32 s5, s6;
	[dreg:$0x0] =	wrdreg $0x0  }
0xae: {  	s6 =	sshll.u32 s28, $0x1;
	[dreg:$0x2] =	wrdreg s5  }
0xaf: {  	[dreg:$0x3] =	wrdreg s6  }
0xb0: {  	[dreg:$0x4] =	wrdreg $0xC0  }
0xb1: {  	_ =	task [dreg:s9], $0x5FFFF  }
0xb2: {  	[dreg:$0x1] =	wrdreg $0xFFFFFFFF  }
0xb3: {  	[dreg:$0x0] =	wrdreg $0x60  }
0xb4: {  	[dreg:$0x2] =	wrdreg s16  }
0xb5: {  	[dreg:$0x3] =	wrdreg s18  }
0xb6: {  	[dreg:$0x4] =	wrdreg s17  }
0xb7: {  	[dreg:$0x5] =	wrdreg $0x9  }
0xb8: {  	_ =	task.clear_ibuf [dreg:s9], $0x6FFFF;
	_ =	strace $0x90000046  }
0xb9: {  	s29 =	simm.s32 $0x9;
	_ =	strace $0x80000048  }
0xba: {  	_ =	swait.ge [sflag:s29], $0x1  }
0xbb: {  	[sflag:s29] =	ssyncadd.s32 $0xFFFFFFFF  }
0xbc: {  	_ =	strace $0x90000048  }
0xbd: {  	_ =	sfence  }
0xbe: {  	s30 =	sld [smem:$0x0];
	_ =	sdelay $0x2  }
0xbf: {  	s31 =	sshll.u32 s1, $0xD;
	s1 =	sshrl.u32 s1, $0x2  }
0xc0: {  	s3 =	sand.u32 $0x4000, s31;
	s1 =	sadd.s32 s1, s30  }
0xc1: {  	s0 =	sor.u32 s3, s0;
	s1 =	sshll.u32 s1, $0x11  }
0xc2: {  	s0 =	sor.u32 s1, s0  }
0xc3: {  	s0 =	sadd.s32 $0x8F2B, s0  }
0xc4: {  	[sflag:s0] =	ssyncadd.remote.s32 $0x1  }
0xc5: {  	_ =	sfence.sel $0xFFFF  }
0xc6: {  	[dreg:$0x0] =	wrdreg $0xFFFFFFFF;
	(pc) =	sbr.abs _section_cstart, $3  }
0xc7: {  	[dreg:$0x1] =	wrdreg $0xFFFFFFFF  }
0xc8: {  	_ =	task.clear_ibuf [dreg:s9], $0x2FFFF;
	_ =	strace $0x9FFFFFFF  }
0xc9: {  	(tm) =	ssettm $0x7FFFFFFF  }
tec
execute0_lowered:
.L_overlay_start_1:
0x0: {  	(tag) =	ssettag $0x1  }
0x1: {  	s1 =	rddreg [dreg:$0x0]  }
0x2: {  	s2 =	srdreg.scid;
	s4 =	rddreg [dreg:$0x1]  }
0x3: {  	s0 =	stileid.u32;
	s6 =	rddreg [dreg:$0x2];
	s17 =	simm.s32 $0x900  }
0x4: {  	s18 =	simm.s32 $0x1100;
	s19 =	simm.s32 $0x1900;
	s20 =	simm.s32 $0x2100  }
0x5: {  	s21 =	simm.s32 $0x2900;
	s22 =	simm.s32 $0x3100;
	s24 =	simm.s32 $0x3900  }
0x6: {  	s25 =	simm.s32 $0x4100;
	s26 =	simm.s32 $0x4900;
	s2 =	sand.u32 $0x1, s2  }
0x7: {  	s9 =	simm.s32 $0x5900;
	s3 =	sshll.u32 s0, $0x9;
	s5 =	sshll.u32 s2, $0x8  }
0x8: {  	s10 =	simm.s32 $0x6100;
	s5 =	sor.u32 s5, s3;
	s3 =	simm.s32 $0x0  }
0x9: {  	s11 =	simm.s32 $0x6900;
	s12 =	simm.s32 $0x7100;
	[smem:$0x7FF] =	sst s3  }
0xa: {  	s13 =	simm.s32 $0x7900;
	_ =	strace $0x80000047;
	[dreg:$0x6] =	wrdreg s17  }
0xb: {  	s14 =	simm.s32 $0x1;
	s15 =	simm.s32 $0x80;
	[dreg:$0x7] =	wrdreg s18  }
0xc: {  	s16 =	simm.s32 $0x8100;
	s28 =	simm.s32 $0xD900;
	[dreg:$0x8] =	wrdreg s19  }
0xd: {  	s29 =	simm.s32 $0xE100;
	s30 =	simm.s32 $0xE900;
	[dreg:$0x9] =	wrdreg s20  }
0xe: {  	s31 =	simm.s32 $0xF100;
	s2 =	ssub.s32 $0x2, s2;
	[dreg:$0xa] =	wrdreg s21  }
0xf: {  	s23 =	sshrl.u32 s2, $0x1;
	s7 =	sshrl.u32 s5, $0x3;
	[dreg:$0xb] =	wrdreg s22  }
0x10: {  	s5 =	sshll.u32 s5, $0x5;
	s2 =	ssub.s32 s2, s23;
	[dreg:$0xc] =	wrdreg s24  }
0x11: {  	s23 =	simm.s32 $0xB900;
	s4 =	sadd.s32 s4, s7;
	[dreg:$0xd] =	wrdreg s25  }
0x12: {  	s5 =	sadd.s32 s6, s5;
	s6 =	simm.s32 $0x2;
	[dreg:$0xe] =	wrdreg s26  }
0x13: {  	s17 =	simm.s32 $0x8900;
	s18 =	simm.s32 $0x9100;
	s19 =	simm.s32 $0x9900  }
0x14: {  	s20 =	simm.s32 $0xA100;
	s21 =	simm.s32 $0xA900;
	s22 =	simm.s32 $0xB100  }
0x15: {  	v2 =	vlaneseq.u32;
	s24 =	simm.s32 $0xC100;
	s25 =	simm.s32 $0xC900;
	s26 =	simm.s32 $0xD100  }
0x16: {  	vm0 =	vmmov $0xffff;
	v1 =	vshrl.u32 v2, $0x3;
	s7 =	sadd.s32 $0x10, s4;
	[dreg:$0x5] =	wrdreg s5;
	s5 =	smax.u32 s2, $0x1  }
0x17: {  	v0 =	vand.u32 $0x7, v2;
	v2 =	vor.u32 $0x8, v2;
	v1 =	vmul.u32 $0x8, v1;
	s2 =	simm.s32 $0xF900;
	[dreg:$0x4] =	wrdreg s7;
	s7 =	simm.s32 $0x100  }
.LBB2_1:
0x18: {  	[tilespmem:s3], [sflag:$0x2] =	stream.linear.gather [hbm4b:s4+s3], $0x80, $0x38;
	[tilespmem:$0x10100] =	vst v63  }
0x19: {  	_ =	swait.ge [sflag:s6], $0x80  }
0x1a: {  	[sflag:s6] =	ssyncset.done $0x0  }
0x1b: {  	[sflag:s6] =	ssyncadd.s32 $0xFFFFFF80  }
0x1c: {  	v3 =	vld [tilespmem:$0x0];
	_ =	sdelay $0x4  }
0x1d: {  	v4 =	vshll.u32 v3, $0x1  }
0x1e: {  	v3 =	vand.u32 $0x7, v3;
	v4 =	vand.u32 $0xFFFFFFF0, v4  }
0x1f: {  	v3 =	vor.u32 v3, v4  }
0x20: {  	v4 =	vperm.xlane v3, v0;
	_ =	sdelay $0x1  }
0x21: {  	v3 =	vperm.xlane v3, v2;
	v4 =	vadd.s32 v1, v4;
	_ =	sdelay $0x1  }
0x22: {  	v3 =	vadd.s32 v1, v3;
	_ =	sdelay $0x2  }
0x23: {  	[tilespmem:s7], [sflag:$0x1] =	stream.indirect_vreg.gather [hbm4b:s1+s3], $0x80, v4, vm0, $0xb8;
	[tilespmem:$0x10100] =	vst v63  }
0x24: {  	s0 =	rddreg [dreg:$0x6]  }
0x25: {  	[tilespmem:s0], [sflag:$0x1] =	stream.indirect_vreg.gather [hbm4b:s1+s3], $0x80, v3, vm0, $0xb8;
	[tilespmem:$0x10100] =	vst v63  }
0x26: {  	v3 =	vld [tilespmem:$0x10];
	_ =	sdelay $0x4  }
0x27: {  	v49 =	vshll.u32 v3, $0x1  }
0x28: {  	v3 =	vand.u32 $0x7, v3;
	v4 =	vand.u32 $0xFFFFFFF0, v49  }
0x29: {  	v3 =	vor.u32 v3, v4  }
0x2a: {  	v4 =	vperm.xlane v3, v0;
	_ =	sdelay $0x1  }
0x2b: {  	v3 =	vperm.xlane v3, v2;
	v4 =	vadd.s32 v1, v4;
	_ =	sdelay $0x1  }
0x2c: {  	v3 =	vadd.s32 v1, v3;
	_ =	sdelay $0x1  }
0x2d: {  	s0 =	rddreg [dreg:$0x7]  }
0x2e: {  	[tilespmem:s0], [sflag:$0x1] =	stream.indirect_vreg.gather [hbm4b:s1+s3], $0x80, v4, vm0, $0xb8;
	[tilespmem:$0x10100] =	vst v63  }
0x2f: {  	s8 =	rddreg [dreg:$0x8]  }
0x30: {  	[tilespmem:s8], [sflag:$0x1] =	stream.indirect_vreg.gather [hbm4b:s1+s3], $0x80, v3, vm0, $0xb8;
	[tilespmem:$0x10100] =	vst v63  }
0x31: {  	v3 =	vld [tilespmem:$0x20];
	_ =	sdelay $0x4  }
0x32: {  	v50 =	vshll.u32 v3, $0x1  }
0x33: {  	v3 =	vand.u32 $0x7, v3;
	v4 =	vand.u32 $0xFFFFFFF0, v50  }
0x34: {  	v3 =	vor.u32 v3, v4  }
0x35: {  	v4 =	vperm.xlane v3, v0;
	_ =	sdelay $0x1  }
0x36: {  	v3 =	vperm.xlane v3, v2;
	v4 =	vadd.s32 v1, v4;
	_ =	sdelay $0x1  }
0x37: {  	v3 =	vadd.s32 v1, v3;
	_ =	sdelay $0x1  }
0x38: {  	s0 =	rddreg [dreg:$0x9]  }
0x39: {  	[tilespmem:s0], [sflag:$0x1] =	stream.indirect_vreg.gather [hbm4b:s1+s3], $0x80, v4, vm0, $0xb8;
	[tilespmem:$0x10100] =	vst v63  }
0x3a: {  	s8 =	rddreg [dreg:$0xa]  }
0x3b: {  	[tilespmem:s8], [sflag:$0x1] =	stream.indirect_vreg.gather [hbm4b:s1+s3], $0x80, v3, vm0, $0xb8;
	[tilespmem:$0x10100] =	vst v63  }
0x3c: {  	v3 =	vld [tilespmem:$0x30];
	_ =	sdelay $0x4  }
0x3d: {  	v51 =	vshll.u32 v3, $0x1  }
0x3e: {  	v3 =	vand.u32 $0x7, v3;
	v4 =	vand.u32 $0xFFFFFFF0, v51  }
0x3f: {  	v3 =	vor.u32 v3, v4  }
0x40: {  	v4 =	vperm.xlane v3, v0;
	_ =	sdelay $0x1  }
0x41: {  	v3 =	vperm.xlane v3, v2;
	v4 =	vadd.s32 v1, v4;
	_ =	sdelay $0x1  }
0x42: {  	v3 =	vadd.s32 v1, v3;
	_ =	sdelay $0x1  }
0x43: {  	s0 =	rddreg [dreg:$0xb]  }
0x44: {  	[tilespmem:s0], [sflag:$0x1] =	stream.indirect_vreg.gather [hbm4b:s1+s3], $0x80, v4, vm0, $0xb8;
	[tilespmem:$0x10100] =	vst v63  }
0x45: {  	s8 =	rddreg [dreg:$0xc]  }
0x46: {  	[tilespmem:s8], [sflag:$0x1] =	stream.indirect_vreg.gather [hbm4b:s1+s3], $0x80, v3, vm0, $0xb8;
	[tilespmem:$0x10100] =	vst v63  }
0x47: {  	v3 =	vld [tilespmem:$0x40];
	_ =	sdelay $0x4  }
0x48: {  	v52 =	vshll.u32 v3, $0x1  }
0x49: {  	v3 =	vand.u32 $0x7, v3;
	v4 =	vand.u32 $0xFFFFFFF0, v52  }
0x4a: {  	v3 =	vor.u32 v3, v4  }
0x4b: {  	v4 =	vperm.xlane v3, v0;
	_ =	sdelay $0x1  }
0x4c: {  	v3 =	vperm.xlane v3, v2;
	v4 =	vadd.s32 v1, v4;
	_ =	sdelay $0x1  }
0x4d: {  	v3 =	vadd.s32 v1, v3;
	_ =	sdelay $0x1  }
0x4e: {  	s0 =	rddreg [dreg:$0xd]  }
0x4f: {  	[tilespmem:s0], [sflag:$0x1] =	stream.indirect_vreg.gather [hbm4b:s1+s3], $0x80, v4, vm0, $0xb8;
	[tilespmem:$0x10100] =	vst v63  }
0x50: {  	s8 =	rddreg [dreg:$0xe]  }
0x51: {  	[tilespmem:s8], [sflag:$0x1] =	stream.indirect_vreg.gather [hbm4b:s1+s3], $0x80, v3, vm0, $0xb8;
	[tilespmem:$0x10100] =	vst v63  }
0x52: {  	v3 =	vld [tilespmem:$0x50];
	_ =	sdelay $0x4  }
0x53: {  	v53 =	vshll.u32 v3, $0x1  }
0x54: {  	v3 =	vand.u32 $0x7, v3;
	v4 =	vand.u32 $0xFFFFFFF0, v53  }
0x55: {  	v3 =	vor.u32 v3, v4  }
0x56: {  	v4 =	vperm.xlane v3, v0;
	_ =	sdelay $0x1  }
0x57: {  	v3 =	vperm.xlane v3, v2;
	v4 =	vadd.s32 v1, v4;
	_ =	sdelay $0x1  }
0x58: {  	v3 =	vadd.s32 v1, v3;
	_ =	sdelay $0x1  }
0x59: {  	s8 =	simm.s32 $0x5100  }
0x5a: {  	[tilespmem:s8], [sflag:$0x1] =	stream.indirect_vreg.gather [hbm4b:s1+s3], $0x80, v4, vm0, $0xb8;
	[tilespmem:$0x10100] =	vst v63  }
0x5b: {  	_ = 	snop  }
0x5c: {  	[tilespmem:s9], [sflag:$0x1] =	stream.indirect_vreg.gather [hbm4b:s1+s3], $0x80, v3, vm0, $0xb8;
	[tilespmem:$0x10100] =	vst v63  }
0x5d: {  	v3 =	vld [tilespmem:$0x60];
	_ =	sdelay $0x4  }
0x5e: {  	v54 =	vshll.u32 v3, $0x1  }
0x5f: {  	v3 =	vand.u32 $0x7, v3;
	v4 =	vand.u32 $0xFFFFFFF0, v54  }
0x60: {  	v3 =	vor.u32 v3, v4  }
0x61: {  	v4 =	vperm.xlane v3, v0;
	_ =	sdelay $0x1  }
0x62: {  	v3 =	vperm.xlane v3, v2;
	v4 =	vadd.s32 v1, v4;
	_ =	sdelay $0x1  }
0x63: {  	v3 =	vadd.s32 v1, v3;
	_ =	sdelay $0x2  }
0x64: {  	[tilespmem:s10], [sflag:$0x1] =	stream.indirect_vreg.gather [hbm4b:s1+s3], $0x80, v4, vm0, $0xb8;
	[tilespmem:$0x10100] =	vst v63  }
0x65: {  	_ = 	snop  }
0x66: {  	[tilespmem:s11], [sflag:$0x1] =	stream.indirect_vreg.gather [hbm4b:s1+s3], $0x80, v3, vm0, $0xb8;
	[tilespmem:$0x10100] =	vst v63  }
0x67: {  	v3 =	vld [tilespmem:$0x70];
	_ =	sdelay $0x4  }
0x68: {  	v55 =	vshll.u32 v3, $0x1  }
0x69: {  	v3 =	vand.u32 $0x7, v3;
	v4 =	vand.u32 $0xFFFFFFF0, v55  }
0x6a: {  	v3 =	vor.u32 v3, v4  }
0x6b: {  	v4 =	vperm.xlane v3, v0;
	_ =	sdelay $0x1  }
0x6c: {  	v3 =	vperm.xlane v3, v2;
	v4 =	vadd.s32 v1, v4;
	_ =	sdelay $0x1  }
0x6d: {  	v3 =	vadd.s32 v1, v3;
	_ =	sdelay $0x2  }
0x6e: {  	[tilespmem:s12], [sflag:$0x1] =	stream.indirect_vreg.gather [hbm4b:s1+s3], $0x80, v4, vm0, $0xb8;
	[tilespmem:$0x10100] =	vst v63  }
0x6f: {  	_ = 	snop  }
0x70: {  	[tilespmem:s13], [sflag:$0x1] =	stream.indirect_vreg.gather [hbm4b:s1+s3], $0x80, v3, vm0, $0xb8;
	[tilespmem:$0x10100] =	vst v63  }
0x71: {  	_ =	swait.ge [sflag:s14], $0x8000  }
0x72: {  	[sflag:s14] =	ssyncset.done $0x0  }
0x73: {  	s8 =	rddreg [dreg:$0x4];
	[sflag:s14] =	ssyncadd.s32 $0xFFFF8000  }
0x74: {  	[tilespmem:s15], [sflag:$0x2] =	stream.linear.gather [hbm4b:s8+s3], $0x80, $0x38;
	[tilespmem:$0x10100] =	vst v63  }
0x75: {  	_ =	swait.ge [sflag:s6], $0x80  }
0x76: {  	[sflag:s6] =	ssyncset.done $0x0  }
0x77: {  	[sflag:s6] =	ssyncadd.s32 $0xFFFFFF80  }
0x78: {  	v3 =	vld [tilespmem:$0x80];
	_ =	sdelay $0x4  }
0x79: {  	v56 =	vshll.u32 v3, $0x1  }
0x7a: {  	v3 =	vand.u32 $0x7, v3;
	v4 =	vand.u32 $0xFFFFFFF0, v56  }
0x7b: {  	v3 =	vor.u32 v3, v4  }
0x7c: {  	v4 =	vperm.xlane v3, v0;
	_ =	sdelay $0x1  }
0x7d: {  	v3 =	vperm.xlane v3, v2;
	v4 =	vadd.s32 v1, v4;
	_ =	sdelay $0x1  }
0x7e: {  	v3 =	vadd.s32 v1, v3;
	_ =	sdelay $0x2  }
0x7f: {  	[tilespmem:s16], [sflag:$0x1] =	stream.indirect_vreg.gather [hbm4b:s1+s3], $0x80, v4, vm0, $0xb8;
	[tilespmem:$0x10100] =	vst v63  }
0x80: {  	_ = 	snop  }
0x81: {  	[tilespmem:s17], [sflag:$0x1] =	stream.indirect_vreg.gather [hbm4b:s1+s3], $0x80, v3, vm0, $0xb8;
	[tilespmem:$0x10100] =	vst v63  }
0x82: {  	v3 =	vld [tilespmem:$0x90];
	_ =	sdelay $0x4  }
0x83: {  	v57 =	vshll.u32 v3, $0x1  }
0x84: {  	v3 =	vand.u32 $0x7, v3;
	v4 =	vand.u32 $0xFFFFFFF0, v57  }
0x85: {  	v3 =	vor.u32 v3, v4  }
0x86: {  	v4 =	vperm.xlane v3, v0;
	_ =	sdelay $0x1  }
0x87: {  	v3 =	vperm.xlane v3, v2;
	v4 =	vadd.s32 v1, v4;
	_ =	sdelay $0x1  }
0x88: {  	v3 =	vadd.s32 v1, v3;
	_ =	sdelay $0x2  }
0x89: {  	[tilespmem:s18], [sflag:$0x1] =	stream.indirect_vreg.gather [hbm4b:s1+s3], $0x80, v4, vm0, $0xb8;
	[tilespmem:$0x10100] =	vst v63  }
0x8a: {  	_ = 	snop  }
0x8b: {  	[tilespmem:s19], [sflag:$0x1] =	stream.indirect_vreg.gather [hbm4b:s1+s3], $0x80, v3, vm0, $0xb8;
	[tilespmem:$0x10100] =	vst v63  }
0x8c: {  	v3 =	vld [tilespmem:$0xA0];
	_ =	sdelay $0x4  }
0x8d: {  	v58 =	vshll.u32 v3, $0x1  }
0x8e: {  	v3 =	vand.u32 $0x7, v3;
	v4 =	vand.u32 $0xFFFFFFF0, v58  }
0x8f: {  	v3 =	vor.u32 v3, v4  }
0x90: {  	v4 =	vperm.xlane v3, v0;
	_ =	sdelay $0x1  }
0x91: {  	v3 =	vperm.xlane v3, v2;
	v4 =	vadd.s32 v1, v4;
	_ =	sdelay $0x1  }
0x92: {  	v3 =	vadd.s32 v1, v3;
	_ =	sdelay $0x2  }
0x93: {  	[tilespmem:s20], [sflag:$0x1] =	stream.indirect_vreg.gather [hbm4b:s1+s3], $0x80, v4, vm0, $0xb8;
	[tilespmem:$0x10100] =	vst v63  }
0x94: {  	_ = 	snop  }
0x95: {  	[tilespmem:s21], [sflag:$0x1] =	stream.indirect_vreg.gather [hbm4b:s1+s3], $0x80, v3, vm0, $0xb8;
	[tilespmem:$0x10100] =	vst v63  }
0x96: {  	v3 =	vld [tilespmem:$0xB0];
	_ =	sdelay $0x4  }
0x97: {  	v59 =	vshll.u32 v3, $0x1  }
0x98: {  	v3 =	vand.u32 $0x7, v3;
	v4 =	vand.u32 $0xFFFFFFF0, v59  }
0x99: {  	v3 =	vor.u32 v3, v4  }
0x9a: {  	v4 =	vperm.xlane v3, v0;
	_ =	sdelay $0x1  }
0x9b: {  	v3 =	vperm.xlane v3, v2;
	v4 =	vadd.s32 v1, v4;
	_ =	sdelay $0x1  }
0x9c: {  	v3 =	vadd.s32 v1, v3;
	_ =	sdelay $0x2  }
0x9d: {  	[tilespmem:s22], [sflag:$0x1] =	stream.indirect_vreg.gather [hbm4b:s1+s3], $0x80, v4, vm0, $0xb8;
	[tilespmem:$0x10100] =	vst v63  }
0x9e: {  	_ = 	snop  }
0x9f: {  	[tilespmem:s23], [sflag:$0x1] =	stream.indirect_vreg.gather [hbm4b:s1+s3], $0x80, v3, vm0, $0xb8;
	[tilespmem:$0x10100] =	vst v63  }
0xa0: {  	v3 =	vld [tilespmem:$0xC0];
	_ =	sdelay $0x4  }
0xa1: {  	v60 =	vshll.u32 v3, $0x1  }
0xa2: {  	v3 =	vand.u32 $0x7, v3;
	v4 =	vand.u32 $0xFFFFFFF0, v60  }
0xa3: {  	v3 =	vor.u32 v3, v4  }
0xa4: {  	v4 =	vperm.xlane v3, v0;
	_ =	sdelay $0x1  }
0xa5: {  	v3 =	vperm.xlane v3, v2;
	v4 =	vadd.s32 v1, v4;
	_ =	sdelay $0x1  }
0xa6: {  	v3 =	vadd.s32 v1, v3;
	_ =	sdelay $0x2  }
0xa7: {  	[tilespmem:s24], [sflag:$0x1] =	stream.indirect_vreg.gather [hbm4b:s1+s3], $0x80, v4, vm0, $0xb8;
	[tilespmem:$0x10100] =	vst v63  }
0xa8: {  	_ = 	snop  }
0xa9: {  	[tilespmem:s25], [sflag:$0x1] =	stream.indirect_vreg.gather [hbm4b:s1+s3], $0x80, v3, vm0, $0xb8;
	[tilespmem:$0x10100] =	vst v63  }
0xaa: {  	v3 =	vld [tilespmem:$0xD0];
	_ =	sdelay $0x4  }
0xab: {  	v61 =	vshll.u32 v3, $0x1  }
0xac: {  	v3 =	vand.u32 $0x7, v3;
	v4 =	vand.u32 $0xFFFFFFF0, v61  }
0xad: {  	v3 =	vor.u32 v3, v4  }
0xae: {  	v4 =	vperm.xlane v3, v0;
	_ =	sdelay $0x1  }
0xaf: {  	v3 =	vperm.xlane v3, v2;
	v4 =	vadd.s32 v1, v4;
	_ =	sdelay $0x1  }
0xb0: {  	v3 =	vadd.s32 v1, v3;
	_ =	sdelay $0x2  }
0xb1: {  	[tilespmem:s26], [sflag:$0x1] =	stream.indirect_vreg.gather [hbm4b:s1+s3], $0x80, v4, vm0, $0xb8;
	[tilespmem:$0x10100] =	vst v63  }
0xb2: {  	_ = 	snop  }
0xb3: {  	[tilespmem:s28], [sflag:$0x1] =	stream.indirect_vreg.gather [hbm4b:s1+s3], $0x80, v3, vm0, $0xb8;
	[tilespmem:$0x10100] =	vst v63  }
0xb4: {  	v3 =	vld [tilespmem:$0xE0];
	_ =	sdelay $0x4  }
0xb5: {  	v62 =	vshll.u32 v3, $0x1  }
0xb6: {  	v3 =	vand.u32 $0x7, v3;
	v4 =	vand.u32 $0xFFFFFFF0, v62  }
0xb7: {  	v3 =	vor.u32 v3, v4  }
0xb8: {  	v4 =	vperm.xlane v3, v0;
	_ =	sdelay $0x1  }
0xb9: {  	v3 =	vperm.xlane v3, v2;
	v4 =	vadd.s32 v1, v4;
	_ =	sdelay $0x1  }
0xba: {  	v3 =	vadd.s32 v1, v3;
	_ =	sdelay $0x2  }
0xbb: {  	[tilespmem:s29], [sflag:$0x1] =	stream.indirect_vreg.gather [hbm4b:s1+s3], $0x80, v4, vm0, $0xb8;
	[tilespmem:$0x10100] =	vst v63  }
0xbc: {  	_ = 	snop  }
0xbd: {  	[tilespmem:s30], [sflag:$0x1] =	stream.indirect_vreg.gather [hbm4b:s1+s3], $0x80, v3, vm0, $0xb8;
	[tilespmem:$0x10100] =	vst v63  }
0xbe: {  	v3 =	vld [tilespmem:$0xF0];
	_ =	sdelay $0x4  }
0xbf: {  	v63 =	vshll.u32 v3, $0x1  }
0xc0: {  	v3 =	vand.u32 $0x7, v3;
	v4 =	vand.u32 $0xFFFFFFF0, v63  }
0xc1: {  	v3 =	vor.u32 v3, v4  }
0xc2: {  	v4 =	vperm.xlane v3, v0;
	_ =	sdelay $0x1  }
0xc3: {  	v3 =	vperm.xlane v3, v2;
	v4 =	vadd.s32 v1, v4;
	_ =	sdelay $0x1  }
0xc4: {  	v3 =	vadd.s32 v1, v3;
	_ =	sdelay $0x2  }
0xc5: {  	[tilespmem:s31], [sflag:$0x1] =	stream.indirect_vreg.gather [hbm4b:s1+s3], $0x80, v4, vm0, $0xb8;
	[tilespmem:$0x10100] =	vst v63  }
0xc6: {  	_ = 	snop  }
0xc7: {  	[tilespmem:s2], [sflag:$0x1] =	stream.indirect_vreg.gather [hbm4b:s1+s3], $0x80, v3, vm0, $0xb8;
	[tilespmem:$0x10100] =	vst v63  }
0xc8: {  	_ =	swait.ge [sflag:s14], $0x8000  }
0xc9: {  	p0 =	sne.s32 s5, $0x1;
	[sflag:s14] =	ssyncset.done $0x0  }
.Ltmp0:
0xca: {  	s8 =	rddreg [dreg:$0x5];
	[sflag:s14] =	ssyncadd.s32 $0xFFFF8000;
	(pc) =	sbr.rel @p0 .LBB2_1-.Ltmp0, $4  }
0xcb: {  	[hbm4b:s8+s3] =	stream.linear.scatter [tilespmem:s7], [sflag:$0x2], $0x10000, $0x38;
	[tilespmem:$0x10100] =	vst v63  }
0xcc: {  	_ =	swait.ge [sflag:s6], $0x10000  }
0xcd: {  	[sflag:s6] =	ssyncset.done $0x0  }
0xce: {  	s5 =	sadd.s32 $0xFFFFFFFF, s5;
	[sflag:s6] =	ssyncadd.s32 $0xFFFF0000  }
0xcf: {  	_ =	sfence.sel $0x180000  }
0xd0: {  	[bflag:$0x0] =	sbarrier.arrive $0xFFFF  }
0xd1: {  	_ =	strace $0x90000047  }
0xd2: {  	s0 =	stileid.u32;
	[bflag:$0x2] =	sbarrier.arrive $0xFFFF  }
0xd3: {  	p0 =	sne.s32 s0, $0x0;
	s0 =	rddreg [dreg:$0x3]  }
0xd4: {  	s0 =	sadd.s32 @!p0 $0x100000, s0  }
0xd5: {  	[sflag:s0] =	ssyncadd.tile.s32 @!p0 $0x1;
	_ =	shalt  }
.Lfunc_end2:
_tile_overlayer_lowered:
.L_overlay_start_2:
0xd6: {  	(tag) =	ssettag $0x2  }
0xd7: {  	s0 =	rddreg [dreg:$0x0];
	s2 =	stileid.u32  }
0xd8: {  	s1 =	rddreg [dreg:$0x1];
	p0 =	sne.s32 s2, $0x0  }
0xd9: {  	s3 =	rddreg [dreg:$0x2];
	[bflag:$0x3] =	sbarrier.arrive $0xFFFF;
	s2 =	simm.s32 @!p0 $0x1C02  }
0xda: {  	[timem:s3], [sflag:s2] =	dma.local @!p0 [hbm:s0], s1  }
0xdb: {  	s0 =	simm.s32 @!p0 $0x2  }
0xdc: {  	_ =	swait.ge @!p0 [sflag:s0], s1  }
0xdd: {  	s1 =	ssub.s32 @!p0 $0x0, s1;
	[sflag:s0] =	ssyncset.done @!p0 $0x0  }
0xde: {  	[sflag:s0] =	ssyncadd.s32 @!p0 s1  }
0xdf: {  	[bflag:$0x3] =	sbarrier.arrive $0xFFFF  }
0xe0: {  	_ =	shalt  }

</sc_bundles>
